<compile_context>
chip_gen: v7x
topology: tpu7x:2x2x1
jax: 0.10.2.dev20260603
libtpu: 0.0.44.dev20260713+nightly
codegen_flags: <defaults>
</compile_context>

<pallas_src>
import functools

import jax
import jax.numpy as jnp
from jax import lax
from jax.experimental import pallas as pl
from jax.experimental.pallas import tpu as pltpu
from jax.experimental.pallas import tpu_sc as plsc

B, C, H, W = 16, 3, 224, 224
PATCH = 16
D = 768
NQ = 100
NC = 4
E = 3
P = (H // PATCH) * (W // PATCH)
PD = C * PATCH * PATCH


def _route_logits_body(x_ref, wc_ref, bc_ref, out_ref):
    pooled = jnp.sum(x_ref[...], axis=(2, 3)) * (1.0 / (H * W))
    logits = jnp.dot(pooled, wc_ref[...],
                     preferred_element_type=jnp.float32) + bc_ref[...]
    out_ref[...] = logits.T


def _route_logits(pixel_values, Wc, bc_row):
    return pl.pallas_call(
        _route_logits_body,
        out_shape=jax.ShapeDtypeStruct((E, B), jnp.float32),
    )(pixel_values, Wc, bc_row)


def _route_sc_body(logits_hbm, pmec_hbm, lv, pv, ev, kv):
    cid = lax.axis_index("c")
    sid = lax.axis_index("s")

    @pl.when(jnp.logical_and(cid == 0, sid == 0))
    def _():
        pltpu.sync_copy(logits_hbm, lv)
        l0 = lv[0, :]
        l1 = lv[1, :]
        l2 = lv[2, :]
        one = jnp.full((B,), 1, jnp.int32)
        two = jnp.full((B,), 2, jnp.int32)
        zero = jnp.full((B,), 0, jnp.int32)
        c = jnp.where(l1 > l0, one, zero)
        c = jnp.where(l2 > jnp.maximum(l0, l1), two, c)
        idx = lax.iota(jnp.int32, B)
        key = c * B + idx
        kv[...] = key
        rank = zero
        for s in range(1, B):
            rot = lax.bitwise_and(idx + s, B - 1)
            ks = plsc.load_gather(kv, [rot])
            rank = rank + jnp.where(ks < key, one, zero)
        plsc.store_scatter(pv, [rank], idx)
        plsc.store_scatter(ev, [rank], c)
        pltpu.sync_copy(pv, pmec_hbm.at[0])
        pltpu.sync_copy(ev, pmec_hbm.at[1])


def _route_sc(logitsT):
    mesh = plsc.VectorSubcoreMesh(core_axis_name="c", subcore_axis_name="s")
    fn = functools.partial(
        pl.kernel,
        out_type=jax.ShapeDtypeStruct((2, B), jnp.int32),
        mesh=mesh,
        scratch_types=[pltpu.VMEM((E, B), jnp.float32),
                       pltpu.VMEM((B,), jnp.int32),
                       pltpu.VMEM((B,), jnp.int32),
                       pltpu.VMEM((B,), jnp.int32)],
        compiler_params=pltpu.CompilerParams(needs_layout_passes=False),
    )(_route_sc_body)
    return fn(logitsT)


def _moe_body(pmec, px_ref, wp_ref, q_ref, wk_ref, wv_ref,
              wcls_ref, bcls_ref, wbox_ref, bbox_ref,
              logits_ref, boxes_ref, hidden_ref, buf_ref,
              wpb_ref, wkb_ref, wvb_ref, qb_ref):
    i = pl.program_id(0)
    e_now = pmec[1, jnp.maximum(i - 1, 0)]
    e_prev = pmec[1, jnp.maximum(i - 2, 0)]

    @pl.when(jnp.logical_or(i == 0, e_now != e_prev))
    def _cast_weights():
        wpb_ref[...] = wp_ref[0].astype(jnp.bfloat16)
        wkb_ref[...] = wk_ref[0].astype(jnp.bfloat16)
        wvb_ref[...] = wv_ref[0].astype(jnp.bfloat16)
        qb_ref[...] = (q_ref[0] * (1.0 / jnp.sqrt(jnp.float32(D)))
                       ).astype(jnp.bfloat16)

    x = buf_ref[...]
    tokens = jnp.dot(x, wpb_ref[...], preferred_element_type=jnp.float32)
    tokens_b = tokens.astype(jnp.bfloat16)
    k = jnp.dot(tokens_b, wkb_ref[...], preferred_element_type=jnp.float32)
    v = jnp.dot(tokens_b, wvb_ref[...], preferred_element_type=jnp.float32)
    scores = lax.dot_general(qb_ref[...], k.astype(jnp.bfloat16),
                             (((1,), (1,)), ((), ())),
                             preferred_element_type=jnp.float32)
    attn = jax.nn.softmax(scores, axis=-1)
    hidden = jnp.dot(attn.astype(jnp.bfloat16), v.astype(jnp.bfloat16),
                     preferred_element_type=jnp.float32)
    hidden_ref[0] = hidden
    logits_ref[0] = (jnp.dot(hidden, wcls_ref[0],
                             preferred_element_type=jnp.float32)
                     + bcls_ref[0]).T
    boxes_ref[0] = jax.nn.sigmoid(
        jnp.dot(hidden, wbox_ref[0],
                preferred_element_type=jnp.float32) + bbox_ref[0]).T
    NP = H // PATCH
    xb = px_ref[0].astype(jnp.bfloat16)
    chans = [
        xb[c].reshape(NP, PATCH, NP, PATCH)
        .transpose(0, 2, 1, 3).reshape(P, PATCH * PATCH)
        for c in range(C)
    ]
    buf_ref[...] = jnp.concatenate(chans, axis=1)


def _moe_grid_spec():
    img = lambda i, pmec: (pmec[0, jnp.maximum(i - 1, 0)], 0, 0)
    exp = lambda i, pmec: (pmec[1, jnp.maximum(i - 1, 0)], 0, 0)
    return pltpu.PrefetchScalarGridSpec(
        num_scalar_prefetch=1,
        grid=(B + 1,),
        in_specs=[
            pl.BlockSpec((1, C, H, W),
                         lambda i, pmec: (pmec[0, jnp.minimum(i, B - 1)], 0, 0, 0)),
            pl.BlockSpec((1, PD, D), exp),
            pl.BlockSpec((1, NQ, D), exp),
            pl.BlockSpec((1, D, D), exp),
            pl.BlockSpec((1, D, D), exp),
            pl.BlockSpec((1, D, NC), exp),
            pl.BlockSpec((1, 1, NC), exp),
            pl.BlockSpec((1, D, 4), exp),
            pl.BlockSpec((1, 1, 4), exp),
        ],
        out_specs=[
            pl.BlockSpec((1, NC, NQ), img),
            pl.BlockSpec((1, 4, NQ), img),
            pl.BlockSpec((1, NQ, D), img),
        ],
        scratch_shapes=[pltpu.VMEM((P, PD), jnp.bfloat16),
                        pltpu.VMEM((PD, D), jnp.bfloat16),
                        pltpu.VMEM((D, D), jnp.bfloat16),
                        pltpu.VMEM((D, D), jnp.bfloat16),
                        pltpu.VMEM((NQ, D), jnp.bfloat16)],
    )


def _moe_call(pmec, pixel_values, Wp, Q, Wk, Wv, Wcls, bcls, Wbox, bbox):
    return pl.pallas_call(
        _moe_body,
        grid_spec=_moe_grid_spec(),
        out_shape=[
            jax.ShapeDtypeStruct((B, NC, NQ), jnp.float32),
            jax.ShapeDtypeStruct((B, 4, NQ), jnp.float32),
            jax.ShapeDtypeStruct((B, NQ, D), jnp.float32),
        ],
        compiler_params=pltpu.CompilerParams(
            dimension_semantics=("arbitrary",)),
    )(pmec, pixel_values, Wp, Q, Wk, Wv, Wcls, bcls, Wbox, bbox)


def kernel(pixel_values, Wc, bc, Wp, Q, Wk, Wv, Wcls, bcls, Wbox, bbox):
    logitsT = _route_logits(pixel_values, Wc, bc.reshape(1, E))
    pmec = _route_sc(logitsT)
    logits_t, boxes_t, hidden = _moe_call(
        pmec, pixel_values, Wp, Q, Wk, Wv, Wcls,
        bcls.reshape(E, 1, NC), Wbox, bbox.reshape(E, 1, 4))
    return (jnp.transpose(logits_t, (0, 2, 1)),
            jnp.transpose(boxes_t, (0, 2, 1)), hidden)

# --- scband reference (transcript-rebuilt; emitter-appended) ---
"""Pipeline reference for scband-simple-mo-e-10806137717011 (READ-ONLY COPY).

The authoritative reference and input builder live on the scoring server;
editing this copy changes nothing except your own understanding.
"""

import jax, jax.numpy as jnp
import numpy as np

B, C, H, W = 16, 3, 224, 224
PATCH = 16
D = 768
NQ = 100
NC = 4
E = 3


def _patchify(x, p=PATCH):
    b, c, h, w = x.shape
    x = x.reshape(b, c, h // p, p, w // p, p)
    x = x.transpose(0, 2, 4, 1, 3, 5)
    return x.reshape(b, (h // p) * (w // p), c * p * p)


def setup_inputs(seed: int = 0) -> dict:
    key = jax.random.key(seed)
    ks = jax.random.split(key, 10)
    scale = 1.0 / np.sqrt(D)
    pd = C * PATCH * PATCH
    return {
        "pixel_values": jax.random.normal(ks[0], (B, C, H, W), jnp.float32),
        "Wc": jax.random.normal(ks[1], (C, E), jnp.float32) * 0.5,
        "bc": jnp.zeros((E,), jnp.float32),
        "Wp": jax.random.normal(ks[2], (E, pd, D), jnp.float32) * scale,
        "Q": jax.random.normal(ks[3], (E, NQ, D), jnp.float32) * scale,
        "Wk": jax.random.normal(ks[4], (E, D, D), jnp.float32) * scale,
        "Wv": jax.random.normal(ks[5], (E, D, D), jnp.float32) * scale,
        "Wcls": jax.random.normal(ks[6], (E, D, NC), jnp.float32) * scale,
        "bcls": jnp.zeros((E, NC), jnp.float32),
        "Wbox": jax.random.normal(ks[7], (E, D, 4), jnp.float32) * scale,
        "bbox": jnp.zeros((E, 4), jnp.float32),
    }


def reference(pixel_values, Wc, bc, Wp, Q, Wk, Wv, Wcls, bcls, Wbox, bbox):
    b = pixel_values.shape[0]
    # dataset classifier (routing, computed under no_grad in the original)
    pooled = pixel_values.mean(axis=(2, 3))  # [B, C]
    dataset_logits = pooled @ Wc + bc  # [B, E]
    dataset_probs = jax.nn.softmax(dataset_logits, axis=1)
    expert_choices = jnp.argmax(dataset_probs, axis=1)  # [B]

    patches = _patchify(pixel_values)  # [B, P, pd]

    def expert(Wp_e, Q_e, Wk_e, Wv_e, Wcls_e, bcls_e, Wbox_e, bbox_e):
        tokens = jnp.einsum('bpf,fd->bpd', patches, Wp_e)  # patch embed
        k = jnp.einsum('bpd,de->bpe', tokens, Wk_e)
        v = jnp.einsum('bpd,de->bpe', tokens, Wv_e)
        attn = jax.nn.softmax(
            jnp.einsum('qd,bpd->bqp', Q_e, k) / jnp.sqrt(jnp.float32(D)), axis=-1)
        hidden = jnp.einsum('bqp,bpd->bqd', attn, v)  # [B, NQ, D]
        logits = hidden @ Wcls_e + bcls_e  # [B, NQ, NC]
        boxes = jax.nn.sigmoid(hidden @ Wbox_e + bbox_e)  # [B, NQ, 4]
        return logits, boxes, hidden

    logits_all, boxes_all, hidden_all = jax.vmap(expert)(
        Wp, Q, Wk, Wv, Wcls, bcls, Wbox, bbox)  # [E, B, ...]

    bidx = jnp.arange(b)
    # scatter each sample's chosen-expert output back to batch order
    batch_logits = logits_all[expert_choices, bidx]
    batch_pred_boxes = boxes_all[expert_choices, bidx]
    batch_last_hidden_state = hidden_all[expert_choices, bidx]
    return batch_logits, batch_pred_boxes, batch_last_hidden_state

if __name__ == "__main__":
    import jax
    _d = setup_inputs()
    print(jax.jit(kernel)(*tuple(_d.values())))

</pallas_src>

<mosaic_0001>
#map = affine_map<(d0, d1) -> (0, 0)>
module attributes {stable_mosaic.version = 14 : i64} {
  func.func @_route_sc_body(%arg0: i32, %arg1: i32, %arg2: memref<3x16xf32, #tpu.memory_space<hbm>>, %arg3: memref<2x16xi32, #tpu.memory_space<hbm>>, %arg4: memref<3x16xf32, #tpu.memory_space<vmem>>, %arg5: memref<16xi32, #tpu.memory_space<vmem>>, %arg6: memref<16xi32, #tpu.memory_space<vmem>>, %arg7: memref<16xi32, #tpu.memory_space<vmem>>) attributes {dimension_semantics = [#tpu.dimension_semantics<core_parallel>, #tpu.dimension_semantics<subcore_parallel>], iteration_bounds = array<i64: 2, 16>, scalar_prefetch = 0 : i64, scratch_operands = 4 : i64, tpu.core_type = #tpu.core_type<sc_vector_subcore>, window_params = [{transform_indices = #map}, {transform_indices = #map}]} {
    %eq3A = arith.constant 0 : i32
    %eq3A_0 = arith.cmpi eq, %arg0, %eq3A : i32
    %eq3A_1 = arith.constant 0 : i32
    %eq3A_2 = arith.cmpi eq, %arg1, %eq3A_1 : i32
    %and3A = arith.andi %eq3A_0, %eq3A_2 : i1
    %convert_element_type3A = arith.extui %and3A : i1 to i32
    %cond3A = arith.constant 0 : i32
    %cond3A_3 = arith.cmpi ne, %convert_element_type3A, %cond3A : i32
    scf.if %cond3A_3 {
      "tpu.region"() ({
        %run_scoped3A_174 = tpu.sem_alloc : memref<!tpu.dma_semaphore, #tpu.memory_space<semaphore_mem>>
        tpu.enqueue_dma source(%arg2 : memref<3x16xf32, #tpu.memory_space<hbm>>) target(%arg4 : memref<3x16xf32, #tpu.memory_space<vmem>>) target_semaphore(%run_scoped3A_174 : memref<!tpu.dma_semaphore, #tpu.memory_space<semaphore_mem>>)
        tpu.wait_dma2 semaphore(%run_scoped3A_174 : memref<!tpu.dma_semaphore, #tpu.memory_space<semaphore_mem>>) src(%arg2 : memref<3x16xf32, #tpu.memory_space<hbm>>) dst(%arg4 : memref<3x16xf32, #tpu.memory_space<vmem>>)
        tpu.yield
      }) : () -> ()
      %get3A = arith.constant 0 : i32
      %get3A_4 = arith.index_cast %get3A : i32 to index
      %get3A_5 = arith.constant 0 : index
      %get3A_6 = tpu.vector_load %arg4[%get3A_4, %get3A_5] {strides = array<i32>} : memref<3x16xf32, #tpu.memory_space<vmem>>, vector<16xf32>,
      %get3A_7 = arith.constant 1 : i32
      %get3A_8 = arith.index_cast %get3A_7 : i32 to index
      %get3A_9 = arith.constant 0 : index
      %get3A_10 = tpu.vector_load %arg4[%get3A_8, %get3A_9] {strides = array<i32>} : memref<3x16xf32, #tpu.memory_space<vmem>>, vector<16xf32>,
      %get3A_11 = arith.constant 2 : i32
      %get3A_12 = arith.index_cast %get3A_11 : i32 to index
      %get3A_13 = arith.constant 0 : index
      %get3A_14 = tpu.vector_load %arg4[%get3A_12, %get3A_13] {strides = array<i32>} : memref<3x16xf32, #tpu.memory_space<vmem>>, vector<16xf32>,
      %broadcast_in_dim3A = arith.constant 1 : i32
      %broadcast_in_dim3A_15 = vector.broadcast %broadcast_in_dim3A : i32 to vector<16xi32>
      %broadcast_in_dim3A_16 = arith.constant 2 : i32
      %broadcast_in_dim3A_17 = vector.broadcast %broadcast_in_dim3A_16 : i32 to vector<16xi32>
      %broadcast_in_dim3A_18 = arith.constant 0 : i32
      %broadcast_in_dim3A_19 = vector.broadcast %broadcast_in_dim3A_18 : i32 to vector<16xi32>
      %gt3A = arith.cmpf ogt, %get3A_10, %get3A_6 : vector<16xf32>
      %select_n3A = arith.select %gt3A, %broadcast_in_dim3A_15, %broadcast_in_dim3A_19 : vector<16xi1>, vector<16xi32>
      %max3A = arith.maximumf %get3A_6, %get3A_10 : vector<16xf32>
      %gt3A_20 = arith.cmpf ogt, %get3A_14, %max3A : vector<16xf32>
      %select_n3A_21 = arith.select %gt3A_20, %broadcast_in_dim3A_17, %select_n3A : vector<16xi1>, vector<16xi32>
      %iota3A = tpu.iota {dimensions = array<i32: 0>} : vector<16xi32>
      %mul3A = arith.constant 16 : i32
      %mul3A_22 = vector.broadcast %mul3A : i32 to vector<16xi32>
      %mul3A_23 = arith.muli %select_n3A_21, %mul3A_22 : vector<16xi32>
      %add3A = arith.addi %mul3A_23, %iota3A : vector<16xi32>
      %swap3A = arith.constant 0 : index
      %swap3A_24 = tpu.vector_load %arg7[%swap3A] {strides = array<i32>} : memref<16xi32, #tpu.memory_space<vmem>>, vector<16xi32>,
      tpu.vector_store %arg7[%swap3A], %add3A {strides = array<i32>} : memref<16xi32, #tpu.memory_space<vmem>>, vector<16xi32>,
      %add3A_25 = arith.constant 1 : i32
      %add3A_26 = vector.broadcast %add3A_25 : i32 to vector<16xi32>
      %add3A_27 = arith.addi %iota3A, %add3A_26 : vector<16xi32>
      %and3A_28 = arith.constant 15 : i32
      %and3A_29 = vector.broadcast %and3A_28 : i32 to vector<16xi32>
      %and3A_30 = arith.andi %add3A_27, %and3A_29 : vector<16xi32>
      %gather3A = tpu.vector_load_idx %arg7[%and3A_30] : memref<16xi32, #tpu.memory_space<vmem>>[vector<16xi32>], vector<16xi32>,
      %lt3A = arith.cmpi slt, %gather3A, %add3A : vector<16xi32>
      %select_n3A_31 = arith.select %lt3A, %broadcast_in_dim3A_15, %broadcast_in_dim3A_19 : vector<16xi1>, vector<16xi32>
      %add3A_32 = arith.addi %broadcast_in_dim3A_19, %select_n3A_31 : vector<16xi32>
      %add3A_33 = arith.constant 2 : i32
      %add3A_34 = vector.broadcast %add3A_33 : i32 to vector<16xi32>
      %add3A_35 = arith.addi %iota3A, %add3A_34 : vector<16xi32>
      %and3A_36 = arith.constant 15 : i32
      %and3A_37 = vector.broadcast %and3A_36 : i32 to vector<16xi32>
      %and3A_38 = arith.andi %add3A_35, %and3A_37 : vector<16xi32>
      %gather3A_39 = tpu.vector_load_idx %arg7[%and3A_38] : memref<16xi32, #tpu.memory_space<vmem>>[vector<16xi32>], vector<16xi32>,
      %lt3A_40 = arith.cmpi slt, %gather3A_39, %add3A : vector<16xi32>
      %select_n3A_41 = arith.select %lt3A_40, %broadcast_in_dim3A_15, %broadcast_in_dim3A_19 : vector<16xi1>, vector<16xi32>
      %add3A_42 = arith.addi %add3A_32, %select_n3A_41 : vector<16xi32>
      %add3A_43 = arith.constant 3 : i32
      %add3A_44 = vector.broadcast %add3A_43 : i32 to vector<16xi32>
      %add3A_45 = arith.addi %iota3A, %add3A_44 : vector<16xi32>
      %and3A_46 = arith.constant 15 : i32
      %and3A_47 = vector.broadcast %and3A_46 : i32 to vector<16xi32>
      %and3A_48 = arith.andi %add3A_45, %and3A_47 : vector<16xi32>
      %gather3A_49 = tpu.vector_load_idx %arg7[%and3A_48] : memref<16xi32, #tpu.memory_space<vmem>>[vector<16xi32>], vector<16xi32>,
      %lt3A_50 = arith.cmpi slt, %gather3A_49, %add3A : vector<16xi32>
      %select_n3A_51 = arith.select %lt3A_50, %broadcast_in_dim3A_15, %broadcast_in_dim3A_19 : vector<16xi1>, vector<16xi32>
      %add3A_52 = arith.addi %add3A_42, %select_n3A_51 : vector<16xi32>
      %add3A_53 = arith.constant 4 : i32
      %add3A_54 = vector.broadcast %add3A_53 : i32 to vector<16xi32>
      %add3A_55 = arith.addi %iota3A, %add3A_54 : vector<16xi32>
      %and3A_56 = arith.constant 15 : i32
      %and3A_57 = vector.broadcast %and3A_56 : i32 to vector<16xi32>
      %and3A_58 = arith.andi %add3A_55, %and3A_57 : vector<16xi32>
      %gather3A_59 = tpu.vector_load_idx %arg7[%and3A_58] : memref<16xi32, #tpu.memory_space<vmem>>[vector<16xi32>], vector<16xi32>,
      %lt3A_60 = arith.cmpi slt, %gather3A_59, %add3A : vector<16xi32>
      %select_n3A_61 = arith.select %lt3A_60, %broadcast_in_dim3A_15, %broadcast_in_dim3A_19 : vector<16xi1>, vector<16xi32>
      %add3A_62 = arith.addi %add3A_52, %select_n3A_61 : vector<16xi32>
      %add3A_63 = arith.constant 5 : i32
      %add3A_64 = vector.broadcast %add3A_63 : i32 to vector<16xi32>
      %add3A_65 = arith.addi %iota3A, %add3A_64 : vector<16xi32>
      %and3A_66 = arith.constant 15 : i32
      %and3A_67 = vector.broadcast %and3A_66 : i32 to vector<16xi32>
      %and3A_68 = arith.andi %add3A_65, %and3A_67 : vector<16xi32>
      %gather3A_69 = tpu.vector_load_idx %arg7[%and3A_68] : memref<16xi32, #tpu.memory_space<vmem>>[vector<16xi32>], vector<16xi32>,
      %lt3A_70 = arith.cmpi slt, %gather3A_69, %add3A : vector<16xi32>
      %select_n3A_71 = arith.select %lt3A_70, %broadcast_in_dim3A_15, %broadcast_in_dim3A_19 : vector<16xi1>, vector<16xi32>
      %add3A_72 = arith.addi %add3A_62, %select_n3A_71 : vector<16xi32>
      %add3A_73 = arith.constant 6 : i32
      %add3A_74 = vector.broadcast %add3A_73 : i32 to vector<16xi32>
      %add3A_75 = arith.addi %iota3A, %add3A_74 : vector<16xi32>
      %and3A_76 = arith.constant 15 : i32
      %and3A_77 = vector.broadcast %and3A_76 : i32 to vector<16xi32>
      %and3A_78 = arith.andi %add3A_75, %and3A_77 : vector<16xi32>
      %gather3A_79 = tpu.vector_load_idx %arg7[%and3A_78] : memref<16xi32, #tpu.memory_space<vmem>>[vector<16xi32>], vector<16xi32>,
      %lt3A_80 = arith.cmpi slt, %gather3A_79, %add3A : vector<16xi32>
      %select_n3A_81 = arith.select %lt3A_80, %broadcast_in_dim3A_15, %broadcast_in_dim3A_19 : vector<16xi1>, vector<16xi32>
      %add3A_82 = arith.addi %add3A_72, %select_n3A_81 : vector<16xi32>
      %add3A_83 = arith.constant 7 : i32
      %add3A_84 = vector.broadcast %add3A_83 : i32 to vector<16xi32>
      %add3A_85 = arith.addi %iota3A, %add3A_84 : vector<16xi32>
      %and3A_86 = arith.constant 15 : i32
      %and3A_87 = vector.broadcast %and3A_86 : i32 to vector<16xi32>
      %and3A_88 = arith.andi %add3A_85, %and3A_87 : vector<16xi32>
      %gather3A_89 = tpu.vector_load_idx %arg7[%and3A_88] : memref<16xi32, #tpu.memory_space<vmem>>[vector<16xi32>], vector<16xi32>,
      %lt3A_90 = arith.cmpi slt, %gather3A_89, %add3A : vector<16xi32>
      %select_n3A_91 = arith.select %lt3A_90, %broadcast_in_dim3A_15, %broadcast_in_dim3A_19 : vector<16xi1>, vector<16xi32>
      %add3A_92 = arith.addi %add3A_82, %select_n3A_91 : vector<16xi32>
      %add3A_93 = arith.constant 8 : i32
      %add3A_94 = vector.broadcast %add3A_93 : i32 to vector<16xi32>
      %add3A_95 = arith.addi %iota3A, %add3A_94 : vector<16xi32>
      %and3A_96 = arith.constant 15 : i32
      %and3A_97 = vector.broadcast %and3A_96 : i32 to vector<16xi32>
      %and3A_98 = arith.andi %add3A_95, %and3A_97 : vector<16xi32>
      %gather3A_99 = tpu.vector_load_idx %arg7[%and3A_98] : memref<16xi32, #tpu.memory_space<vmem>>[vector<16xi32>], vector<16xi32>,
      %lt3A_100 = arith.cmpi slt, %gather3A_99, %add3A : vector<16xi32>
      %select_n3A_101 = arith.select %lt3A_100, %broadcast_in_dim3A_15, %broadcast_in_dim3A_19 : vector<16xi1>, vector<16xi32>
      %add3A_102 = arith.addi %add3A_92, %select_n3A_101 : vector<16xi32>
      %add3A_103 = arith.constant 9 : i32
      %add3A_104 = vector.broadcast %add3A_103 : i32 to vector<16xi32>
      %add3A_105 = arith.addi %iota3A, %add3A_104 : vector<16xi32>
      %and3A_106 = arith.constant 15 : i32
      %and3A_107 = vector.broadcast %and3A_106 : i32 to vector<16xi32>
      %and3A_108 = arith.andi %add3A_105, %and3A_107 : vector<16xi32>
      %gather3A_109 = tpu.vector_load_idx %arg7[%and3A_108] : memref<16xi32, #tpu.memory_space<vmem>>[vector<16xi32>], vector<16xi32>,
      %lt3A_110 = arith.cmpi slt, %gather3A_109, %add3A : vector<16xi32>
      %select_n3A_111 = arith.select %lt3A_110, %broadcast_in_dim3A_15, %broadcast_in_dim3A_19 : vector<16xi1>, vector<16xi32>
      %add3A_112 = arith.addi %add3A_102, %select_n3A_111 : vector<16xi32>
      %add3A_113 = arith.constant 10 : i32
      %add3A_114 = vector.broadcast %add3A_113 : i32 to vector<16xi32>
      %add3A_115 = arith.addi %iota3A, %add3A_114 : vector<16xi32>
      %and3A_116 = arith.constant 15 : i32
      %and3A_117 = vector.broadcast %and3A_116 : i32 to vector<16xi32>
      %and3A_118 = arith.andi %add3A_115, %and3A_117 : vector<16xi32>
      %gather3A_119 = tpu.vector_load_idx %arg7[%and3A_118] : memref<16xi32, #tpu.memory_space<vmem>>[vector<16xi32>], vector<16xi32>,
      %lt3A_120 = arith.cmpi slt, %gather3A_119, %add3A : vector<16xi32>
      %select_n3A_121 = arith.select %lt3A_120, %broadcast_in_dim3A_15, %broadcast_in_dim3A_19 : vector<16xi1>, vector<16xi32>
      %add3A_122 = arith.addi %add3A_112, %select_n3A_121 : vector<16xi32>
      %add3A_123 = arith.constant 11 : i32
      %add3A_124 = vector.broadcast %add3A_123 : i32 to vector<16xi32>
      %add3A_125 = arith.addi %iota3A, %add3A_124 : vector<16xi32>
      %and3A_126 = arith.constant 15 : i32
      %and3A_127 = vector.broadcast %and3A_126 : i32 to vector<16xi32>
      %and3A_128 = arith.andi %add3A_125, %and3A_127 : vector<16xi32>
      %gather3A_129 = tpu.vector_load_idx %arg7[%and3A_128] : memref<16xi32, #tpu.memory_space<vmem>>[vector<16xi32>], vector<16xi32>,
      %lt3A_130 = arith.cmpi slt, %gather3A_129, %add3A : vector<16xi32>
      %select_n3A_131 = arith.select %lt3A_130, %broadcast_in_dim3A_15, %broadcast_in_dim3A_19 : vector<16xi1>, vector<16xi32>
      %add3A_132 = arith.addi %add3A_122, %select_n3A_131 : vector<16xi32>
      %add3A_133 = arith.constant 12 : i32
      %add3A_134 = vector.broadcast %add3A_133 : i32 to vector<16xi32>
      %add3A_135 = arith.addi %iota3A, %add3A_134 : vector<16xi32>
      %and3A_136 = arith.constant 15 : i32
      %and3A_137 = vector.broadcast %and3A_136 : i32 to vector<16xi32>
      %and3A_138 = arith.andi %add3A_135, %and3A_137 : vector<16xi32>
      %gather3A_139 = tpu.vector_load_idx %arg7[%and3A_138] : memref<16xi32, #tpu.memory_space<vmem>>[vector<16xi32>], vector<16xi32>,
      %lt3A_140 = arith.cmpi slt, %gather3A_139, %add3A : vector<16xi32>
      %select_n3A_141 = arith.select %lt3A_140, %broadcast_in_dim3A_15, %broadcast_in_dim3A_19 : vector<16xi1>, vector<16xi32>
      %add3A_142 = arith.addi %add3A_132, %select_n3A_141 : vector<16xi32>
      %add3A_143 = arith.constant 13 : i32
      %add3A_144 = vector.broadcast %add3A_143 : i32 to vector<16xi32>
      %add3A_145 = arith.addi %iota3A, %add3A_144 : vector<16xi32>
      %and3A_146 = arith.constant 15 : i32
      %and3A_147 = vector.broadcast %and3A_146 : i32 to vector<16xi32>
      %and3A_148 = arith.andi %add3A_145, %and3A_147 : vector<16xi32>
      %gather3A_149 = tpu.vector_load_idx %arg7[%and3A_148] : memref<16xi32, #tpu.memory_space<vmem>>[vector<16xi32>], vector<16xi32>,
      %lt3A_150 = arith.cmpi slt, %gather3A_149, %add3A : vector<16xi32>
      %select_n3A_151 = arith.select %lt3A_150, %broadcast_in_dim3A_15, %broadcast_in_dim3A_19 : vector<16xi1>, vector<16xi32>
      %add3A_152 = arith.addi %add3A_142, %select_n3A_151 : vector<16xi32>
      %add3A_153 = arith.constant 14 : i32
      %add3A_154 = vector.broadcast %add3A_153 : i32 to vector<16xi32>
      %add3A_155 = arith.addi %iota3A, %add3A_154 : vector<16xi32>
      %and3A_156 = arith.constant 15 : i32
      %and3A_157 = vector.broadcast %and3A_156 : i32 to vector<16xi32>
      %and3A_158 = arith.andi %add3A_155, %and3A_157 : vector<16xi32>
      %gather3A_159 = tpu.vector_load_idx %arg7[%and3A_158] : memref<16xi32, #tpu.memory_space<vmem>>[vector<16xi32>], vector<16xi32>,
      %lt3A_160 = arith.cmpi slt, %gather3A_159, %add3A : vector<16xi32>
      %select_n3A_161 = arith.select %lt3A_160, %broadcast_in_dim3A_15, %broadcast_in_dim3A_19 : vector<16xi1>, vector<16xi32>
      %add3A_162 = arith.addi %add3A_152, %select_n3A_161 : vector<16xi32>
      %add3A_163 = arith.constant 15 : i32
      %add3A_164 = vector.broadcast %add3A_163 : i32 to vector<16xi32>
      %add3A_165 = arith.addi %iota3A, %add3A_164 : vector<16xi32>
      %and3A_166 = arith.constant 15 : i32
      %and3A_167 = vector.broadcast %and3A_166 : i32 to vector<16xi32>
      %and3A_168 = arith.andi %add3A_165, %and3A_167 : vector<16xi32>
      %gather3A_169 = tpu.vector_load_idx %arg7[%and3A_168] : memref<16xi32, #tpu.memory_space<vmem>>[vector<16xi32>], vector<16xi32>,
      %lt3A_170 = arith.cmpi slt, %gather3A_169, %add3A : vector<16xi32>
      %select_n3A_171 = arith.select %lt3A_170, %broadcast_in_dim3A_15, %broadcast_in_dim3A_19 : vector<16xi1>, vector<16xi32>
      %add3A_172 = arith.addi %add3A_162, %select_n3A_171 : vector<16xi32>
      tpu.vector_store_idx %arg5[%add3A_172], %iota3A : memref<16xi32, #tpu.memory_space<vmem>>[vector<16xi32>], vector<16xi32>,
      tpu.vector_store_idx %arg6[%add3A_172], %select_n3A_21 : memref<16xi32, #tpu.memory_space<vmem>>[vector<16xi32>], vector<16xi32>,
      %run_scoped3A = arith.constant 0 : i32
      "tpu.region"() ({
        %run_scoped3A_174 = tpu.sem_alloc : memref<!tpu.dma_semaphore, #tpu.memory_space<semaphore_mem>>
        %dma_start3A = arith.constant 0 : i32
        %dma_start3A_175 = tpu.memref_slice %arg3[%run_scoped3A, %dma_start3A] : memref<2x16xi32, #tpu.memory_space<hbm>> -> memref<1x16xi32, #tpu.memory_space<hbm>>
        %dma_start3A_176 = tpu.memref_squeeze %dma_start3A_175 : memref<1x16xi32, #tpu.memory_space<hbm>> -> memref<16xi32, #tpu.memory_space<hbm>>
        %dma_start3A_177 = arith.constant 0 : i32
        %dma_start3A_178 = tpu.memref_slice %arg3[%run_scoped3A, %dma_start3A_177] : memref<2x16xi32, #tpu.memory_space<hbm>> -> memref<1x16xi32, #tpu.memory_space<hbm>>
        %dma_start3A_179 = tpu.memref_squeeze %dma_start3A_178 : memref<1x16xi32, #tpu.memory_space<hbm>> -> memref<16xi32, #tpu.memory_space<hbm>>
        tpu.enqueue_dma source(%arg5 : memref<16xi32, #tpu.memory_space<vmem>>) target(%dma_start3A_179 : memref<16xi32, #tpu.memory_space<hbm>>) target_semaphore(%run_scoped3A_174 : memref<!tpu.dma_semaphore, #tpu.memory_space<semaphore_mem>>)
        %dma_wait3A = arith.constant 0 : i32
        %dma_wait3A_180 = tpu.memref_slice %arg3[%run_scoped3A, %dma_wait3A] : memref<2x16xi32, #tpu.memory_space<hbm>> -> memref<1x16xi32, #tpu.memory_space<hbm>>
        %dma_wait3A_181 = tpu.memref_squeeze %dma_wait3A_180 : memref<1x16xi32, #tpu.memory_space<hbm>> -> memref<16xi32, #tpu.memory_space<hbm>>
        %dma_wait3A_182 = arith.constant 0 : i32
        %dma_wait3A_183 = tpu.memref_slice %arg3[%run_scoped3A, %dma_wait3A_182] : memref<2x16xi32, #tpu.memory_space<hbm>> -> memref<1x16xi32, #tpu.memory_space<hbm>>
        %dma_wait3A_184 = tpu.memref_squeeze %dma_wait3A_183 : memref<1x16xi32, #tpu.memory_space<hbm>> -> memref<16xi32, #tpu.memory_space<hbm>>
        tpu.wait_dma2 semaphore(%run_scoped3A_174 : memref<!tpu.dma_semaphore, #tpu.memory_space<semaphore_mem>>) src(%arg5 : memref<16xi32, #tpu.memory_space<vmem>>) dst(%dma_wait3A_184 : memref<16xi32, #tpu.memory_space<hbm>>)
        tpu.yield
      }) : () -> ()
      %run_scoped3A_173 = arith.constant 1 : i32
      "tpu.region"() ({
        %run_scoped3A_174 = tpu.sem_alloc : memref<!tpu.dma_semaphore, #tpu.memory_space<semaphore_mem>>
        %dma_start3A = arith.constant 0 : i32
        %dma_start3A_175 = tpu.memref_slice %arg3[%run_scoped3A_173, %dma_start3A] : memref<2x16xi32, #tpu.memory_space<hbm>> -> memref<1x16xi32, #tpu.memory_space<hbm>>
        %dma_start3A_176 = tpu.memref_squeeze %dma_start3A_175 : memref<1x16xi32, #tpu.memory_space<hbm>> -> memref<16xi32, #tpu.memory_space<hbm>>
        %dma_start3A_177 = arith.constant 0 : i32
        %dma_start3A_178 = tpu.memref_slice %arg3[%run_scoped3A_173, %dma_start3A_177] : memref<2x16xi32, #tpu.memory_space<hbm>> -> memref<1x16xi32, #tpu.memory_space<hbm>>
        %dma_start3A_179 = tpu.memref_squeeze %dma_start3A_178 : memref<1x16xi32, #tpu.memory_space<hbm>> -> memref<16xi32, #tpu.memory_space<hbm>>
        tpu.enqueue_dma source(%arg6 : memref<16xi32, #tpu.memory_space<vmem>>) target(%dma_start3A_179 : memref<16xi32, #tpu.memory_space<hbm>>) target_semaphore(%run_scoped3A_174 : memref<!tpu.dma_semaphore, #tpu.memory_space<semaphore_mem>>)
        %dma_wait3A = arith.constant 0 : i32
        %dma_wait3A_180 = tpu.memref_slice %arg3[%run_scoped3A_173, %dma_wait3A] : memref<2x16xi32, #tpu.memory_space<hbm>> -> memref<1x16xi32, #tpu.memory_space<hbm>>
        %dma_wait3A_181 = tpu.memref_squeeze %dma_wait3A_180 : memref<1x16xi32, #tpu.memory_space<hbm>> -> memref<16xi32, #tpu.memory_space<hbm>>
        %dma_wait3A_182 = arith.constant 0 : i32
        %dma_wait3A_183 = tpu.memref_slice %arg3[%run_scoped3A_173, %dma_wait3A_182] : memref<2x16xi32, #tpu.memory_space<hbm>> -> memref<1x16xi32, #tpu.memory_space<hbm>>
        %dma_wait3A_184 = tpu.memref_squeeze %dma_wait3A_183 : memref<1x16xi32, #tpu.memory_space<hbm>> -> memref<16xi32, #tpu.memory_space<hbm>>
        tpu.wait_dma2 semaphore(%run_scoped3A_174 : memref<!tpu.dma_semaphore, #tpu.memory_space<semaphore_mem>>) src(%arg6 : memref<16xi32, #tpu.memory_space<vmem>>) dst(%dma_wait3A_184 : memref<16xi32, #tpu.memory_space<hbm>>)
        tpu.yield
      }) : () -> ()
    } else {
    }
    return
  }
}

module attributes {stable_mosaic.version = 14 : i64} {
  func.func @_moe_body(%arg0: i32, %arg1: memref<2x16xi32, #tpu.memory_space<smem>>, %arg2: memref<1x3x224x224xf32, #tpu.memory_space<vmem>>, %arg3: memref<1x768x768xf32, #tpu.memory_space<vmem>>, %arg4: memref<1x100x768xf32, #tpu.memory_space<vmem>>, %arg5: memref<1x768x768xf32, #tpu.memory_space<vmem>>, %arg6: memref<1x768x768xf32, #tpu.memory_space<vmem>>, %arg7: memref<1x768x4xf32, #tpu.memory_space<vmem>>, %arg8: memref<1x1x4xf32, #tpu.memory_space<vmem>>, %arg9: memref<1x768x4xf32, #tpu.memory_space<vmem>>, %arg10: memref<1x1x4xf32, #tpu.memory_space<vmem>>, %arg11: memref<1x4x100xf32, #tpu.memory_space<vmem>>, %arg12: memref<1x4x100xf32, #tpu.memory_space<vmem>>, %arg13: memref<1x100x768xf32, #tpu.memory_space<vmem>>, %arg14: memref<196x768xbf16, #tpu.memory_space<vmem>>, %arg15: memref<768x768xbf16, #tpu.memory_space<vmem>>, %arg16: memref<768x768xbf16, #tpu.memory_space<vmem>>, %arg17: memref<768x768xbf16, #tpu.memory_space<vmem>>, %arg18: memref<100x768xbf16, #tpu.memory_space<vmem>>) attributes {dimension_semantics = [#tpu.dimension_semantics<arbitrary>], iteration_bounds = array<i64: 17>, scalar_prefetch = 1 : i64, scratch_operands = 5 : i64, tpu.core_type = #tpu.core_type<tc>, window_params = [{transform_indices = @transform_0, window_bounds = array<i64: 1, 3, 224, 224>}, {transform_indices = @transform_1, window_bounds = array<i64: 1, 768, 768>}, {transform_indices = @transform_2, window_bounds = array<i64: 1, 100, 768>}, {transform_indices = @transform_3, window_bounds = array<i64: 1, 768, 768>}, {transform_indices = @transform_4, window_bounds = array<i64: 1, 768, 768>}, {transform_indices = @transform_5, window_bounds = array<i64: 1, 768, 4>}, {transform_indices = @transform_6, window_bounds = array<i64: 1, 1, 4>}, {transform_indices = @transform_7, window_bounds = array<i64: 1, 768, 4>}, {transform_indices = @transform_8, window_bounds = array<i64: 1, 1, 4>}, {transform_indices = @transform_9, window_bounds = array<i64: 1, 4, 100>}, {transform_indices = @transform_10, window_bounds = array<i64: 1, 4, 100>}, {transform_indices = @transform_11, window_bounds = array<i64: 1, 100, 768>}]} {
    %sub3A = arith.constant 1 : i32
    %sub3A_0 = arith.subi %arg0, %sub3A : i32
    %max3A = arith.constant 0 : i32
    %max3A_1 = arith.maxsi %sub3A_0, %max3A : i32
    %get3A = arith.constant 1 : index
    %get3A_2 = arith.index_cast %max3A_1 : i32 to index
    %get3A_3 = memref.load %arg1[%get3A, %get3A_2] : memref<2x16xi32, #tpu.memory_space<smem>>
    %sub3A_4 = arith.constant 2 : i32
    %sub3A_5 = arith.subi %arg0, %sub3A_4 : i32
    %max3A_6 = arith.constant 0 : i32
    %max3A_7 = arith.maxsi %sub3A_5, %max3A_6 : i32
    %get3A_8 = arith.constant 1 : index
    %get3A_9 = arith.index_cast %max3A_7 : i32 to index
    %get3A_10 = memref.load %arg1[%get3A_8, %get3A_9] : memref<2x16xi32, #tpu.memory_space<smem>>
    %eq3A = arith.constant 0 : i32
    %eq3A_11 = arith.cmpi eq, %arg0, %eq3A : i32
    %ne3A = arith.cmpi ne, %get3A_3, %get3A_10 : i32
    %or3A = arith.ori %eq3A_11, %ne3A : i1
    %convert_element_type3A = arith.extui %or3A : i1 to i32
    %cond3A = arith.constant 0 : i32
    %cond3A_12 = arith.cmpi ne, %convert_element_type3A, %cond3A : i32
    scf.if %cond3A_12 {
      %get3A_122 = arith.constant 0 : index
      %get3A_123 = arith.constant 0 : index
      %get3A_124 = arith.constant 0 : index
      %get3A_125 = vector.load %arg3[%get3A_122, %get3A_123, %get3A_124] : memref<1x768x768xf32, #tpu.memory_space<vmem>>, vector<1x768x768xf32>
      %get3A_126 = vector.shape_cast %get3A_125 : vector<1x768x768xf32> to vector<768x768xf32>
      %convert_element_type3A_127 = arith.truncf %get3A_126 : vector<768x768xf32> to vector<768x768xbf16>
      %swap3A_128 = arith.constant 0 : index
      %swap3A_129 = arith.constant 0 : index
      %swap3A_130 = vector.load %arg15[%swap3A_128, %swap3A_129] : memref<768x768xbf16, #tpu.memory_space<vmem>>, vector<768x768xbf16>
      tpu.vector_store %arg15[%swap3A_128, %swap3A_129], %convert_element_type3A_127 {strides = array<i32>} : memref<768x768xbf16, #tpu.memory_space<vmem>>, vector<768x768xbf16>,
      %get3A_131 = arith.constant 0 : index
      %get3A_132 = arith.constant 0 : index
      %get3A_133 = arith.constant 0 : index
      %get3A_134 = vector.load %arg5[%get3A_131, %get3A_132, %get3A_133] : memref<1x768x768xf32, #tpu.memory_space<vmem>>, vector<1x768x768xf32>
      %get3A_135 = vector.shape_cast %get3A_134 : vector<1x768x768xf32> to vector<768x768xf32>
      %convert_element_type3A_136 = arith.truncf %get3A_135 : vector<768x768xf32> to vector<768x768xbf16>
      %swap3A_137 = arith.constant 0 : index
      %swap3A_138 = arith.constant 0 : index
      %swap3A_139 = vector.load %arg16[%swap3A_137, %swap3A_138] : memref<768x768xbf16, #tpu.memory_space<vmem>>, vector<768x768xbf16>
      tpu.vector_store %arg16[%swap3A_137, %swap3A_138], %convert_element_type3A_136 {strides = array<i32>} : memref<768x768xbf16, #tpu.memory_space<vmem>>, vector<768x768xbf16>,
      %get3A_140 = arith.constant 0 : index
      %get3A_141 = arith.constant 0 : index
      %get3A_142 = arith.constant 0 : index
      %get3A_143 = vector.load %arg6[%get3A_140, %get3A_141, %get3A_142] : memref<1x768x768xf32, #tpu.memory_space<vmem>>, vector<1x768x768xf32>
      %get3A_144 = vector.shape_cast %get3A_143 : vector<1x768x768xf32> to vector<768x768xf32>
      %convert_element_type3A_145 = arith.truncf %get3A_144 : vector<768x768xf32> to vector<768x768xbf16>
      %swap3A_146 = arith.constant 0 : index
      %swap3A_147 = arith.constant 0 : index
      %swap3A_148 = vector.load %arg17[%swap3A_146, %swap3A_147] : memref<768x768xbf16, #tpu.memory_space<vmem>>, vector<768x768xbf16>
      tpu.vector_store %arg17[%swap3A_146, %swap3A_147], %convert_element_type3A_145 {strides = array<i32>} : memref<768x768xbf16, #tpu.memory_space<vmem>>, vector<768x768xbf16>,
      %get3A_149 = arith.constant 0 : index
      %get3A_150 = arith.constant 0 : index
      %get3A_151 = arith.constant 0 : index
      %get3A_152 = vector.load %arg4[%get3A_149, %get3A_150, %get3A_151] : memref<1x100x768xf32, #tpu.memory_space<vmem>>, vector<1x100x768xf32>
      %get3A_153 = vector.shape_cast %get3A_152 : vector<1x100x768xf32> to vector<100x768xf32>
      %sqrt3A = arith.constant 7.680000e+02 : f32
      %sqrt3A_154 = math.sqrt %sqrt3A : f32
      %div3A_155 = arith.constant 1.000000e+00 : f32
      %div3A_156 = arith.divf %div3A_155, %sqrt3A_154 : f32
      %mul3A = vector.broadcast %div3A_156 : f32 to vector<100x768xf32>
      %mul3A_157 = arith.mulf %get3A_153, %mul3A : vector<100x768xf32>
      %convert_element_type3A_158 = arith.truncf %mul3A_157 : vector<100x768xf32> to vector<100x768xbf16>
      %swap3A_159 = arith.constant 0 : index
      %swap3A_160 = arith.constant 0 : index
      %swap3A_161 = vector.load %arg18[%swap3A_159, %swap3A_160] : memref<100x768xbf16, #tpu.memory_space<vmem>>, vector<100x768xbf16>
      tpu.vector_store %arg18[%swap3A_159, %swap3A_160], %convert_element_type3A_158 {strides = array<i32>} : memref<100x768xbf16, #tpu.memory_space<vmem>>, vector<100x768xbf16>,
    } else {
    }
    %get3A_13 = arith.constant 0 : index
    %get3A_14 = arith.constant 0 : index
    %get3A_15 = vector.load %arg14[%get3A_13, %get3A_14] : memref<196x768xbf16, #tpu.memory_space<vmem>>, vector<196x768xbf16>
    %get3A_16 = arith.constant 0 : index
    %get3A_17 = arith.constant 0 : index
    %get3A_18 = vector.load %arg15[%get3A_16, %get3A_17] : memref<768x768xbf16, #tpu.memory_space<vmem>>, vector<768x768xbf16>
    %dot_general3A = arith.constant dense<0.000000e+00> : vector<196x768xf32>
    %dot_general3A_19 = tpu.matmul %get3A_15, %get3A_18, %dot_general3A {dimension_numbers = #tpu.dot_dimension_numbers<[1], [0], [0], [1], [0, 0, 1, 1], [], []>, transpose_lhs_hint = false} : vector<196x768xbf16>, vector<768x768xbf16>, vector<196x768xf32> -> vector<196x768xf32>
    %convert_element_type3A_20 = arith.truncf %dot_general3A_19 : vector<196x768xf32> to vector<196x768xbf16>
    %get3A_21 = arith.constant 0 : index
    %get3A_22 = arith.constant 0 : index
    %get3A_23 = vector.load %arg16[%get3A_21, %get3A_22] : memref<768x768xbf16, #tpu.memory_space<vmem>>, vector<768x768xbf16>
    %dot_general3A_24 = arith.constant dense<0.000000e+00> : vector<196x768xf32>
    %dot_general3A_25 = tpu.matmul %convert_element_type3A_20, %get3A_23, %dot_general3A_24 {dimension_numbers = #tpu.dot_dimension_numbers<[1], [0], [0], [1], [0, 0, 1, 1], [], []>, transpose_lhs_hint = false} : vector<196x768xbf16>, vector<768x768xbf16>, vector<196x768xf32> -> vector<196x768xf32>
    %get3A_26 = arith.constant 0 : index
    %get3A_27 = arith.constant 0 : index
    %get3A_28 = vector.load %arg17[%get3A_26, %get3A_27] : memref<768x768xbf16, #tpu.memory_space<vmem>>, vector<768x768xbf16>
    %dot_general3A_29 = arith.constant dense<0.000000e+00> : vector<196x768xf32>
    %dot_general3A_30 = tpu.matmul %convert_element_type3A_20, %get3A_28, %dot_general3A_29 {dimension_numbers = #tpu.dot_dimension_numbers<[1], [0], [0], [1], [0, 0, 1, 1], [], []>, transpose_lhs_hint = false} : vector<196x768xbf16>, vector<768x768xbf16>, vector<196x768xf32> -> vector<196x768xf32>
    %get3A_31 = arith.constant 0 : index
    %get3A_32 = arith.constant 0 : index
    %get3A_33 = vector.load %arg18[%get3A_31, %get3A_32] : memref<100x768xbf16, #tpu.memory_space<vmem>>, vector<100x768xbf16>
    %convert_element_type3A_34 = arith.truncf %dot_general3A_25 : vector<196x768xf32> to vector<196x768xbf16>
    %dot_general3A_35 = arith.constant dense<0.000000e+00> : vector<100x196xf32>
    %dot_general3A_36 = tpu.matmul %get3A_33, %convert_element_type3A_34, %dot_general3A_35 {dimension_numbers = #tpu.dot_dimension_numbers<[1], [1], [0], [0], [0, 0, 1, 0], [], []>, transpose_lhs_hint = false} : vector<100x768xbf16>, vector<196x768xbf16>, vector<100x196xf32> -> vector<100x196xf32>
    %reduce_max3A = arith.constant dense<0xFF800000> : vector<100xf32>
    %reduce_max3A_37 = vector.multi_reduction <maximumf>, %dot_general3A_36, %reduce_max3A [1] : vector<100x196xf32> to vector<100xf32>
    %max3A_38 = arith.constant 0xFF800000 : f32
    %max3A_39 = vector.broadcast %max3A_38 : f32 to vector<100xf32>
    %max3A_40 = arith.maximumf %max3A_39, %reduce_max3A_37 : vector<100xf32>
    %broadcast_in_dim3A = vector.shape_cast %max3A_40 : vector<100xf32> to vector<100x1xf32>
    %sub3A_41 = vector.broadcast %broadcast_in_dim3A : vector<100x1xf32> to vector<100x196xf32>
    %sub3A_42 = arith.subf %dot_general3A_36, %sub3A_41 : vector<100x196xf32>
    %exp3A = math.exp %sub3A_42 : vector<100x196xf32>
    %reduce_sum3A = arith.constant dense<0.000000e+00> : vector<100xf32>
    %reduce_sum3A_43 = vector.multi_reduction <add>, %exp3A, %reduce_sum3A [1] : vector<100x196xf32> to vector<100xf32>
    %broadcast_in_dim3A_44 = vector.shape_cast %reduce_sum3A_43 : vector<100xf32> to vector<100x1xf32>
    %div3A = vector.broadcast %broadcast_in_dim3A_44 : vector<100x1xf32> to vector<100x196xf32>
    %div3A_45 = arith.divf %exp3A, %div3A : vector<100x196xf32>
    %convert_element_type3A_46 = arith.truncf %div3A_45 : vector<100x196xf32> to vector<100x196xbf16>
    %convert_element_type3A_47 = arith.truncf %dot_general3A_30 : vector<196x768xf32> to vector<196x768xbf16>
    %dot_general3A_48 = arith.constant dense<0.000000e+00> : vector<100x768xf32>
    %dot_general3A_49 = tpu.matmul %convert_element_type3A_46, %convert_element_type3A_47, %dot_general3A_48 {dimension_numbers = #tpu.dot_dimension_numbers<[1], [0], [0], [1], [0, 0, 1, 1], [], []>, transpose_lhs_hint = false} : vector<100x196xbf16>, vector<196x768xbf16>, vector<100x768xf32> -> vector<100x768xf32>
    %swap3A = arith.constant 0 : index
    %swap3A_50 = arith.constant 0 : index
    %swap3A_51 = arith.constant 0 : index
    %swap3A_52 = vector.load %arg13[%swap3A, %swap3A_50, %swap3A_51] : memref<1x100x768xf32, #tpu.memory_space<vmem>>, vector<1x100x768xf32>
    %swap3A_53 = vector.shape_cast %swap3A_52 : vector<1x100x768xf32> to vector<100x768xf32>
    %swap3A_54 = vector.shape_cast %dot_general3A_49 : vector<100x768xf32> to vector<1x100x768xf32>
    tpu.vector_store %arg13[%swap3A, %swap3A_50, %swap3A_51], %swap3A_54 {strides = array<i32>} : memref<1x100x768xf32, #tpu.memory_space<vmem>>, vector<1x100x768xf32>,
    %get3A_55 = arith.constant 0 : index
    %get3A_56 = arith.constant 0 : index
    %get3A_57 = arith.constant 0 : index
    %get3A_58 = vector.load %arg7[%get3A_55, %get3A_56, %get3A_57] : memref<1x768x4xf32, #tpu.memory_space<vmem>>, vector<1x768x4xf32>
    %get3A_59 = vector.shape_cast %get3A_58 : vector<1x768x4xf32> to vector<768x4xf32>
    %dot_general3A_60 = arith.constant dense<0.000000e+00> : vector<100x4xf32>
    %dot_general3A_61 = tpu.matmul %dot_general3A_49, %get3A_59, %dot_general3A_60 {dimension_numbers = #tpu.dot_dimension_numbers<[1], [0], [0], [1], [0, 0, 1, 1], [], []>, transpose_lhs_hint = false} : vector<100x768xf32>, vector<768x4xf32>, vector<100x4xf32> -> vector<100x4xf32>
    %get3A_62 = arith.constant 0 : index
    %get3A_63 = arith.constant 0 : index
    %get3A_64 = arith.constant 0 : index
    %get3A_65 = vector.load %arg8[%get3A_62, %get3A_63, %get3A_64] : memref<1x1x4xf32, #tpu.memory_space<vmem>>, vector<1x1x4xf32>
    %get3A_66 = vector.shape_cast %get3A_65 : vector<1x1x4xf32> to vector<1x4xf32>
    %add3A = vector.broadcast %get3A_66 : vector<1x4xf32> to vector<100x4xf32>
    %add3A_67 = arith.addf %dot_general3A_61, %add3A : vector<100x4xf32>
    %transpose3A = tpu.transpose %add3A_67, [1, 0] : vector<100x4xf32> -> vector<4x100xf32>
    %swap3A_68 = arith.constant 0 : index
    %swap3A_69 = arith.constant 0 : index
    %swap3A_70 = arith.constant 0 : index
    %swap3A_71 = vector.load %arg11[%swap3A_68, %swap3A_69, %swap3A_70] : memref<1x4x100xf32, #tpu.memory_space<vmem>>, vector<1x4x100xf32>
    %swap3A_72 = vector.shape_cast %swap3A_71 : vector<1x4x100xf32> to vector<4x100xf32>
    %swap3A_73 = vector.shape_cast %transpose3A : vector<4x100xf32> to vector<1x4x100xf32>
    tpu.vector_store %arg11[%swap3A_68, %swap3A_69, %swap3A_70], %swap3A_73 {strides = array<i32>} : memref<1x4x100xf32, #tpu.memory_space<vmem>>, vector<1x4x100xf32>,
    %get3A_74 = arith.constant 0 : index
    %get3A_75 = arith.constant 0 : index
    %get3A_76 = arith.constant 0 : index
    %get3A_77 = vector.load %arg9[%get3A_74, %get3A_75, %get3A_76] : memref<1x768x4xf32, #tpu.memory_space<vmem>>, vector<1x768x4xf32>
    %get3A_78 = vector.shape_cast %get3A_77 : vector<1x768x4xf32> to vector<768x4xf32>
    %dot_general3A_79 = arith.constant dense<0.000000e+00> : vector<100x4xf32>
    %dot_general3A_80 = tpu.matmul %dot_general3A_49, %get3A_78, %dot_general3A_79 {dimension_numbers = #tpu.dot_dimension_numbers<[1], [0], [0], [1], [0, 0, 1, 1], [], []>, transpose_lhs_hint = false} : vector<100x768xf32>, vector<768x4xf32>, vector<100x4xf32> -> vector<100x4xf32>
    %get3A_81 = arith.constant 0 : index
    %get3A_82 = arith.constant 0 : index
    %get3A_83 = arith.constant 0 : index
    %get3A_84 = vector.load %arg10[%get3A_81, %get3A_82, %get3A_83] : memref<1x1x4xf32, #tpu.memory_space<vmem>>, vector<1x1x4xf32>
    %get3A_85 = vector.shape_cast %get3A_84 : vector<1x1x4xf32> to vector<1x4xf32>
    %add3A_86 = vector.broadcast %get3A_85 : vector<1x4xf32> to vector<100x4xf32>
    %add3A_87 = arith.addf %dot_general3A_80, %add3A_86 : vector<100x4xf32>
    %logistic3A = arith.negf %add3A_87 : vector<100x4xf32>
    %logistic3A_88 = math.exp %logistic3A : vector<100x4xf32>
    %logistic3A_89 = arith.constant 1.000000e+00 : f32
    %logistic3A_90 = vector.broadcast %logistic3A_89 : f32 to vector<100x4xf32>
    %logistic3A_91 = arith.addf %logistic3A_90, %logistic3A_88 : vector<100x4xf32>
    %logistic3A_92 = arith.divf %logistic3A_90, %logistic3A_91 : vector<100x4xf32>
    %transpose3A_93 = tpu.transpose %logistic3A_92, [1, 0] : vector<100x4xf32> -> vector<4x100xf32>
    %swap3A_94 = arith.constant 0 : index
    %swap3A_95 = arith.constant 0 : index
    %swap3A_96 = arith.constant 0 : index
    %swap3A_97 = vector.load %arg12[%swap3A_94, %swap3A_95, %swap3A_96] : memref<1x4x100xf32, #tpu.memory_space<vmem>>, vector<1x4x100xf32>
    %swap3A_98 = vector.shape_cast %swap3A_97 : vector<1x4x100xf32> to vector<4x100xf32>
    %swap3A_99 = vector.shape_cast %transpose3A_93 : vector<4x100xf32> to vector<1x4x100xf32>
    tpu.vector_store %arg12[%swap3A_94, %swap3A_95, %swap3A_96], %swap3A_99 {strides = array<i32>} : memref<1x4x100xf32, #tpu.memory_space<vmem>>, vector<1x4x100xf32>,
    %get3A_100 = arith.constant 0 : index
    %get3A_101 = arith.constant 0 : index
    %get3A_102 = arith.constant 0 : index
    %get3A_103 = arith.constant 0 : index
    %get3A_104 = vector.load %arg2[%get3A_100, %get3A_101, %get3A_102, %get3A_103] : memref<1x3x224x224xf32, #tpu.memory_space<vmem>>, vector<1x3x224x224xf32>
    %get3A_105 = vector.shape_cast %get3A_104 : vector<1x3x224x224xf32> to vector<3x224x224xf32>
    %convert_element_type3A_106 = arith.truncf %get3A_105 : vector<3x224x224xf32> to vector<3x224x224xbf16>
    %slice3A = vector.extract_strided_slice %convert_element_type3A_106 {offsets = [0, 0, 0], sizes = [1, 224, 224], strides = [1, 1, 1]} : vector<3x224x224xbf16> to vector<1x224x224xbf16>
    %squeeze3A = vector.shape_cast %slice3A : vector<1x224x224xbf16> to vector<224x224xbf16>
    %reshape3A = vector.shape_cast %squeeze3A : vector<224x224xbf16> to vector<14x16x14x16xbf16>
    %transpose3A_107 = tpu.transpose %reshape3A, [0, 2, 1, 3] : vector<14x16x14x16xbf16> -> vector<14x14x16x16xbf16>
    %reshape3A_108 = vector.shape_cast %transpose3A_107 : vector<14x14x16x16xbf16> to vector<196x256xbf16>
    %slice3A_109 = vector.extract_strided_slice %convert_element_type3A_106 {offsets = [1, 0, 0], sizes = [1, 224, 224], strides = [1, 1, 1]} : vector<3x224x224xbf16> to vector<1x224x224xbf16>
    %squeeze3A_110 = vector.shape_cast %slice3A_109 : vector<1x224x224xbf16> to vector<224x224xbf16>
    %reshape3A_111 = vector.shape_cast %squeeze3A_110 : vector<224x224xbf16> to vector<14x16x14x16xbf16>
    %transpose3A_112 = tpu.transpose %reshape3A_111, [0, 2, 1, 3] : vector<14x16x14x16xbf16> -> vector<14x14x16x16xbf16>
    %reshape3A_113 = vector.shape_cast %transpose3A_112 : vector<14x14x16x16xbf16> to vector<196x256xbf16>
    %slice3A_114 = vector.extract_strided_slice %convert_element_type3A_106 {offsets = [2, 0, 0], sizes = [1, 224, 224], strides = [1, 1, 1]} : vector<3x224x224xbf16> to vector<1x224x224xbf16>
    %squeeze3A_115 = vector.shape_cast %slice3A_114 : vector<1x224x224xbf16> to vector<224x224xbf16>
    %reshape3A_116 = vector.shape_cast %squeeze3A_115 : vector<224x224xbf16> to vector<14x16x14x16xbf16>
    %transpose3A_117 = tpu.transpose %reshape3A_116, [0, 2, 1, 3] : vector<14x16x14x16xbf16> -> vector<14x14x16x16xbf16>
    %reshape3A_118 = vector.shape_cast %transpose3A_117 : vector<14x14x16x16xbf16> to vector<196x256xbf16>
    %concatenate3A = tpu.concatenate %reshape3A_108, %reshape3A_113, %reshape3A_118 in 1 : vector<196x256xbf16>, vector<196x256xbf16>, vector<196x256xbf16> -> vector<196x768xbf16>
    %swap3A_119 = arith.constant 0 : index
    %swap3A_120 = arith.constant 0 : index
    %swap3A_121 = vector.load %arg14[%swap3A_119, %swap3A_120] : memref<196x768xbf16, #tpu.memory_space<vmem>>, vector<196x768xbf16>
    tpu.vector_store %arg14[%swap3A_119, %swap3A_120], %concatenate3A {strides = array<i32>} : memref<196x768xbf16, #tpu.memory_space<vmem>>, vector<196x768xbf16>,
    return
  }
  func.func @transform_0(%arg0: i32, %arg1: memref<2x16xi32, #tpu.memory_space<smem>>) -> (i32, i32, i32, i32) {
    %min3A = arith.constant 15 : i32
    %min3A_0 = arith.minsi %arg0, %min3A : i32
    %get3A = arith.constant 0 : index
    %get3A_1 = arith.index_cast %min3A_0 : i32 to index
    %get3A_2 = memref.load %arg1[%get3A, %get3A_1] : memref<2x16xi32, #tpu.memory_space<smem>>
    %c0_i32 = arith.constant 0 : i32
    %c0_i32_3 = arith.constant 0 : i32
    %c0_i32_4 = arith.constant 0 : i32
    %c0_i32_5 = arith.constant 0 : i32
    return %get3A_2, %c0_i32, %c0_i32_3, %c0_i32_4 : i32, i32, i32, i32
  }
  func.func @transform_1(%arg0: i32, %arg1: memref<2x16xi32, #tpu.memory_space<smem>>) -> (i32, i32, i32) {
    %sub3A = arith.constant 1 : i32
    %sub3A_0 = arith.subi %arg0, %sub3A : i32
    %max3A = arith.constant 0 : i32
    %max3A_1 = arith.maxsi %sub3A_0, %max3A : i32
    %get3A = arith.constant 1 : index
    %get3A_2 = arith.index_cast %max3A_1 : i32 to index
    %get3A_3 = memref.load %arg1[%get3A, %get3A_2] : memref<2x16xi32, #tpu.memory_space<smem>>
    %c0_i32 = arith.constant 0 : i32
    %c0_i32_4 = arith.constant 0 : i32
    %c0_i32_5 = arith.constant 0 : i32
    return %get3A_3, %c0_i32, %c0_i32_4 : i32, i32, i32
  }
  func.func @transform_2(%arg0: i32, %arg1: memref<2x16xi32, #tpu.memory_space<smem>>) -> (i32, i32, i32) {
    %sub3A = arith.constant 1 : i32
    %sub3A_0 = arith.subi %arg0, %sub3A : i32
    %max3A = arith.constant 0 : i32
    %max3A_1 = arith.maxsi %sub3A_0, %max3A : i32
    %get3A = arith.constant 1 : index
    %get3A_2 = arith.index_cast %max3A_1 : i32 to index
    %get3A_3 = memref.load %arg1[%get3A, %get3A_2] : memref<2x16xi32, #tpu.memory_space<smem>>
    %c0_i32 = arith.constant 0 : i32
    %c0_i32_4 = arith.constant 0 : i32
    %c0_i32_5 = arith.constant 0 : i32
    return %get3A_3, %c0_i32, %c0_i32_4 : i32, i32, i32
  }
  func.func @transform_3(%arg0: i32, %arg1: memref<2x16xi32, #tpu.memory_space<smem>>) -> (i32, i32, i32) {
    %sub3A = arith.constant 1 : i32
    %sub3A_0 = arith.subi %arg0, %sub3A : i32
    %max3A = arith.constant 0 : i32
    %max3A_1 = arith.maxsi %sub3A_0, %max3A : i32
    %get3A = arith.constant 1 : index
    %get3A_2 = arith.index_cast %max3A_1 : i32 to index
    %get3A_3 = memref.load %arg1[%get3A, %get3A_2] : memref<2x16xi32, #tpu.memory_space<smem>>
    %c0_i32 = arith.constant 0 : i32
    %c0_i32_4 = arith.constant 0 : i32
    %c0_i32_5 = arith.constant 0 : i32
    return %get3A_3, %c0_i32, %c0_i32_4 : i32, i32, i32
  }
  func.func @transform_4(%arg0: i32, %arg1: memref<2x16xi32, #tpu.memory_space<smem>>) -> (i32, i32, i32) {
    %sub3A = arith.constant 1 : i32
    %sub3A_0 = arith.subi %arg0, %sub3A : i32
    %max3A = arith.constant 0 : i32
    %max3A_1 = arith.maxsi %sub3A_0, %max3A : i32
    %get3A = arith.constant 1 : index
    %get3A_2 = arith.index_cast %max3A_1 : i32 to index
    %get3A_3 = memref.load %arg1[%get3A, %get3A_2] : memref<2x16xi32, #tpu.memory_space<smem>>
    %c0_i32 = arith.constant 0 : i32
    %c0_i32_4 = arith.constant 0 : i32
    %c0_i32_5 = arith.constant 0 : i32
    return %get3A_3, %c0_i32, %c0_i32_4 : i32, i32, i32
  }
  func.func @transform_5(%arg0: i32, %arg1: memref<2x16xi32, #tpu.memory_space<smem>>) -> (i32, i32, i32) {
    %sub3A = arith.constant 1 : i32
    %sub3A_0 = arith.subi %arg0, %sub3A : i32
    %max3A = arith.constant 0 : i32
    %max3A_1 = arith.maxsi %sub3A_0, %max3A : i32
    %get3A = arith.constant 1 : index
    %get3A_2 = arith.index_cast %max3A_1 : i32 to index
    %get3A_3 = memref.load %arg1[%get3A, %get3A_2] : memref<2x16xi32, #tpu.memory_space<smem>>
    %c0_i32 = arith.constant 0 : i32
    %c0_i32_4 = arith.constant 0 : i32
    %c0_i32_5 = arith.constant 0 : i32
    return %get3A_3, %c0_i32, %c0_i32_4 : i32, i32, i32
  }
  func.func @transform_6(%arg0: i32, %arg1: memref<2x16xi32, #tpu.memory_space<smem>>) -> (i32, i32, i32) {
    %sub3A = arith.constant 1 : i32
    %sub3A_0 = arith.subi %arg0, %sub3A : i32
    %max3A = arith.constant 0 : i32
    %max3A_1 = arith.maxsi %sub3A_0, %max3A : i32
    %get3A = arith.constant 1 : index
    %get3A_2 = arith.index_cast %max3A_1 : i32 to index
    %get3A_3 = memref.load %arg1[%get3A, %get3A_2] : memref<2x16xi32, #tpu.memory_space<smem>>
    %c0_i32 = arith.constant 0 : i32
    %c0_i32_4 = arith.constant 0 : i32
    %c0_i32_5 = arith.constant 0 : i32
    return %get3A_3, %c0_i32, %c0_i32_4 : i32, i32, i32
  }
  func.func @transform_7(%arg0: i32, %arg1: memref<2x16xi32, #tpu.memory_space<smem>>) -> (i32, i32, i32) {
    %sub3A = arith.constant 1 : i32
    %sub3A_0 = arith.subi %arg0, %sub3A : i32
    %max3A = arith.constant 0 : i32
    %max3A_1 = arith.maxsi %sub3A_0, %max3A : i32
    %get3A = arith.constant 1 : index
    %get3A_2 = arith.index_cast %max3A_1 : i32 to index
    %get3A_3 = memref.load %arg1[%get3A, %get3A_2] : memref<2x16xi32, #tpu.memory_space<smem>>
    %c0_i32 = arith.constant 0 : i32
    %c0_i32_4 = arith.constant 0 : i32
    %c0_i32_5 = arith.constant 0 : i32
    return %get3A_3, %c0_i32, %c0_i32_4 : i32, i32, i32
  }
  func.func @transform_8(%arg0: i32, %arg1: memref<2x16xi32, #tpu.memory_space<smem>>) -> (i32, i32, i32) {
    %sub3A = arith.constant 1 : i32
    %sub3A_0 = arith.subi %arg0, %sub3A : i32
    %max3A = arith.constant 0 : i32
    %max3A_1 = arith.maxsi %sub3A_0, %max3A : i32
    %get3A = arith.constant 1 : index
    %get3A_2 = arith.index_cast %max3A_1 : i32 to index
    %get3A_3 = memref.load %arg1[%get3A, %get3A_2] : memref<2x16xi32, #tpu.memory_space<smem>>
    %c0_i32 = arith.constant 0 : i32
    %c0_i32_4 = arith.constant 0 : i32
    %c0_i32_5 = arith.constant 0 : i32
    return %get3A_3, %c0_i32, %c0_i32_4 : i32, i32, i32
  }
  func.func @transform_9(%arg0: i32, %arg1: memref<2x16xi32, #tpu.memory_space<smem>>) -> (i32, i32, i32) {
    %sub3A = arith.constant 1 : i32
    %sub3A_0 = arith.subi %arg0, %sub3A : i32
    %max3A = arith.constant 0 : i32
    %max3A_1 = arith.maxsi %sub3A_0, %max3A : i32
    %get3A = arith.constant 0 : index
    %get3A_2 = arith.index_cast %max3A_1 : i32 to index
    %get3A_3 = memref.load %arg1[%get3A, %get3A_2] : memref<2x16xi32, #tpu.memory_space<smem>>
    %c0_i32 = arith.constant 0 : i32
    %c0_i32_4 = arith.constant 0 : i32
    %c0_i32_5 = arith.constant 0 : i32
    return %get3A_3, %c0_i32, %c0_i32_4 : i32, i32, i32
  }
  func.func @transform_10(%arg0: i32, %arg1: memref<2x16xi32, #tpu.memory_space<smem>>) -> (i32, i32, i32) {
    %sub3A = arith.constant 1 : i32
    %sub3A_0 = arith.subi %arg0, %sub3A : i32
    %max3A = arith.constant 0 : i32
    %max3A_1 = arith.maxsi %sub3A_0, %max3A : i32
    %get3A = arith.constant 0 : index
    %get3A_2 = arith.index_cast %max3A_1 : i32 to index
    %get3A_3 = memref.load %arg1[%get3A, %get3A_2] : memref<2x16xi32, #tpu.memory_space<smem>>
    %c0_i32 = arith.constant 0 : i32
    %c0_i32_4 = arith.constant 0 : i32
    %c0_i32_5 = arith.constant 0 : i32
    return %get3A_3, %c0_i32, %c0_i32_4 : i32, i32, i32
  }
  func.func @transform_11(%arg0: i32, %arg1: memref<2x16xi32, #tpu.memory_space<smem>>) -> (i32, i32, i32) {
    %sub3A = arith.constant 1 : i32
    %sub3A_0 = arith.subi %arg0, %sub3A : i32
    %max3A = arith.constant 0 : i32
    %max3A_1 = arith.maxsi %sub3A_0, %max3A : i32
    %get3A = arith.constant 0 : index
    %get3A_2 = arith.index_cast %max3A_1 : i32 to index
    %get3A_3 = memref.load %arg1[%get3A, %get3A_2] : memref<2x16xi32, #tpu.memory_space<smem>>
    %c0_i32 = arith.constant 0 : i32
    %c0_i32_4 = arith.constant 0 : i32
    %c0_i32_5 = arith.constant 0 : i32
    return %get3A_3, %c0_i32, %c0_i32_4 : i32, i32, i32
  }
}

module attributes {stable_mosaic.version = 14 : i64} {
  func.func @_route_logits_body(%arg0: memref<16x3x224x224xf32, #tpu.memory_space<vmem>>, %arg1: memref<3x3xf32, #tpu.memory_space<vmem>>, %arg2: memref<1x3xf32, #tpu.memory_space<vmem>>, %arg3: memref<3x16xf32, #tpu.memory_space<vmem>>) attributes {dimension_semantics = [], scalar_prefetch = 0 : i64, scratch_operands = 0 : i64, tpu.core_type = #tpu.core_type<tc>} {
    %get3A = arith.constant 0 : index
    %get3A_0 = arith.constant 0 : index
    %get3A_1 = arith.constant 0 : index
    %get3A_2 = arith.constant 0 : index
    %get3A_3 = vector.load %arg0[%get3A, %get3A_0, %get3A_1, %get3A_2] : memref<16x3x224x224xf32, #tpu.memory_space<vmem>>, vector<16x3x224x224xf32>
    %reduce_sum3A = arith.constant dense<0.000000e+00> : vector<16x3xf32>
    %reduce_sum3A_4 = vector.multi_reduction <add>, %get3A_3, %reduce_sum3A [2, 3] : vector<16x3x224x224xf32> to vector<16x3xf32>
    %mul3A = arith.constant 1.99298465E-5 : f32
    %mul3A_5 = vector.broadcast %mul3A : f32 to vector<16x3xf32>
    %mul3A_6 = arith.mulf %reduce_sum3A_4, %mul3A_5 : vector<16x3xf32>
    %get3A_7 = arith.constant 0 : index
    %get3A_8 = arith.constant 0 : index
    %get3A_9 = vector.load %arg1[%get3A_7, %get3A_8] : memref<3x3xf32, #tpu.memory_space<vmem>>, vector<3x3xf32>
    %dot_general3A = arith.constant dense<0.000000e+00> : vector<16x3xf32>
    %dot_general3A_10 = tpu.matmul %mul3A_6, %get3A_9, %dot_general3A {dimension_numbers = #tpu.dot_dimension_numbers<[1], [0], [0], [1], [0, 0, 1, 1], [], []>, transpose_lhs_hint = false} : vector<16x3xf32>, vector<3x3xf32>, vector<16x3xf32> -> vector<16x3xf32>
    %get3A_11 = arith.constant 0 : index
    %get3A_12 = arith.constant 0 : index
    %get3A_13 = vector.load %arg2[%get3A_11, %get3A_12] : memref<1x3xf32, #tpu.memory_space<vmem>>, vector<1x3xf32>
    %add3A = vector.broadcast %get3A_13 : vector<1x3xf32> to vector<16x3xf32>
    %add3A_14 = arith.addf %dot_general3A_10, %add3A : vector<16x3xf32>
    %transpose3A = tpu.transpose %add3A_14, [1, 0] : vector<16x3xf32> -> vector<3x16xf32>
    %swap3A = arith.constant 0 : index
    %swap3A_15 = arith.constant 0 : index
    %swap3A_16 = vector.load %arg3[%swap3A, %swap3A_15] : memref<3x16xf32, #tpu.memory_space<vmem>>, vector<3x16xf32>
    tpu.vector_store %arg3[%swap3A, %swap3A_15], %transpose3A {strides = array<i32>} : memref<3x16xf32, #tpu.memory_space<vmem>>, vector<3x16xf32>,
    return
  }
}

</mosaic_0001>

<sc_bundles>
// kernel: kernel.5.cloned.1.call-start
scs
__scs_entry_jumppad:
0x0: {  	(pc) =	sbr.rel $0x88, $3  }
0x1: {  	(tag) =	ssettag $0x0;
	lr =	simm.s32 $0x1  }
0x2: {  	[smem:$0x3F96] =	sst lr;
	_ =	strace $0xD0000000  }
0x3: {  	_ = 	snop  }
0x4: {  	_ = 	snop  }
0x5: {  	_ = 	snop  }
0x6: {  	_ = 	snop  }
0x7: {  	_ = 	snop  }
__scs_overlays_trampoline_lowered:
0x8: {  	[smem:$0x3FA5] =	sst s0  }
0x9: {  	[smem:$0x3FA6] =	sst s1  }
0xa: {  	[smem:$0x3FA7] =	sst s2  }
0xb: {  	[smem:$0x3FA8] =	sst s3  }
0xc: {  	[smem:$0x3FA9] =	sst s4  }
0xd: {  	[smem:$0x3FAA] =	sst s5  }
0xe: {  	[smem:$0x3FAB] =	sst s6  }
0xf: {  	[smem:$0x3FAC] =	sst s7  }
0x10: {  	[smem:$0x3FAD] =	sst s8  }
0x11: {  	[smem:$0x3FAE] =	sst s9;
	s0 =	simm.s32 @!p0 $0x0  }
0x12: {  	s1 =	sld [smem:$0x3F94];
	s0 =	simm.s32 @p0 $0x1  }
0x13: {  	[smem:$0x3FAF] =	sst s0;
	s0 =	simm.s32 @!p1 $0x0  }
0x14: {  	s2 =	sld [smem:$0x3F93];
	s0 =	simm.s32 @p1 $0x1  }
0x15: {  	[smem:$0x3FB0] =	sst s0;
	s0 =	simm.s32 @!p2 $0x0  }
0x16: {  	s3 =	sld [smem:$0x3FDB];
	s0 =	simm.s32 @p2 $0x1  }
0x17: {  	s4 =	simm.s32 $0x1BF5;
	[smem:$0x3FB2] =	sst s0  }
0x18: {  	s0 =	sld [smem:$0x3F95];
	_ =	swait.ge [sflag:s4], $0x0  }
0x19: {  	s7 =	sld [smem:$0x3F96]  }
0x1a: {  	s8 =	sadd.s32 $0xFFFFE003, lr  }
0x1b: {  	s9 =	sadd.s32 $0xFFFFFEF7, lr;
	s5 =	simm.s32 $0xFFFFFFFF;
	p2 =	slt.u32 s8, $0xFFFFF086  }
0x1c: {  	p1 =	slt.u32 s9, $0xF7A;
	s5 =	simm.s32 @!p2 $0x0  }
0x1d: {  	s5 =	simm.s32 @p1 $0x1;
	p0 =	seq.s32 s7, s2  }
0x1e: {  	s7 =	smul.u32 @!p0 $0xF7A, s2;
	p2 =	seq.s32 @!p0 s5, $0x0  }
0x1f: {  	s9 =	smul.u32 $0xF7A, s1;
	s8 =	simm.s32 @!p0 $0x1BF5;
	p2 =	por !p2, p0  }
0x20: {  	[sflag:s8] =	ssyncset.s32 @!p0 $0xFFFFF086;
	s6 =	sadd.s32 @!p0 s3, s7;
	s7 =	simm.s32 @!p0 $0x108  }
0x21: {  	s3 =	sadd.s32 s3, s9;
	s6 =	sadd.s32 @!p0 $0x88, s6;
	s7 =	simm.s32 @p2 $0x1082  }
0x22: {  	[simem:s7], [sflag:s8] =	dma.local @!p0 [hbm:s6], $0xF7A  }
0x23: {  	s9 =	sor.u32 $0xD0000000, s2;
	s6 =	simm.s32 $0x108;
	_ =	swait.ge @!p0 [sflag:s8], $0x0  }
0x24: {  	s3 =	sadd.s32 $0x88, s3;
	s6 =	simm.s32 @!p1 $0x1082;
	[sflag:s4] =	ssyncset.s32 $0xFFFFF086  }
0x25: {  	[simem:s6], [sflag:s4] =	dma.local [hbm:s3], $0xF7A  }
0x26: {  	[smem:$0x3F96] =	sst s1;
	(tag) =	ssettag s2;
	_ =	strace s9  }
0x27: {  	s1 =	sld [smem:$0x3FA6]  }
0x28: {  	s2 =	sld [smem:$0x3FA7]  }
0x29: {  	s4 =	sld [smem:$0x3FA9]  }
0x2a: {  	p0 =	seq.s32 s5, $0x0;
	s5 =	sld [smem:$0x3FAA]  }
0x2b: {  	s6 =	sld [smem:$0x3FAB]  }
0x2c: {  	s7 =	sld [smem:$0x3FAC]  }
0x2d: {  	s3 =	simm.s32 $0x108;
	s8 =	sld [smem:$0x3FAD]  }
0x2e: {  	s3 =	simm.s32 @!p0 $0x1082;
	s9 =	sld [smem:$0x3FAE]  }
0x2f: {  	lr =	sadd.s32 s0, s3;
	s0 =	sld [smem:$0x3FA5]  }
0x30: {  	s3 =	sld [smem:$0x3FA8]  }
0x31: {  	[smem:$0x3FB1] =	sst s10  }
0x32: {  	s10 =	sld [smem:$0x3FAF];
	_ =	sdelay $0x3  }
0x33: {  	p0 =	seq.s32 s10, $0x1;
	s10 =	sld [smem:$0x3FB1];
	_ =	sdelay $0x3  }
0x34: {  	[smem:$0x3FB1] =	sst s10  }
0x35: {  	s10 =	sld [smem:$0x3FB0];
	_ =	sdelay $0x3  }
0x36: {  	p1 =	seq.s32 s10, $0x1;
	s10 =	sld [smem:$0x3FB1];
	_ =	sdelay $0x3  }
0x37: {  	[smem:$0x3FB1] =	sst s10  }
0x38: {  	s10 =	sld [smem:$0x3FB2]  }
0x39: {  	_ = 	snop;
	(pc) =	sbr.ind lr, $3  }
0x3a: {  	_ = 	snop  }
0x3b: {  	_ = 	snop  }
0x3c: {  	p2 =	seq.s32 s10, $0x1;
	s10 =	sld [smem:$0x3FB1]  }
0x3d: {  	_ =	shalt  }
0x3e: {  	_ =	shalt  }
0x3f: {  	_ =	shalt  }
0x40: {  	_ =	shalt  }
0x41: {  	_ =	shalt  }
0x42: {  	_ =	shalt  }
0x43: {  	_ =	shalt  }
0x44: {  	_ =	shalt  }
0x45: {  	_ =	shalt  }
0x46: {  	_ =	shalt  }
0x47: {  	_ =	shalt  }
0x48: {  	_ =	shalt  }
0x49: {  	_ =	shalt  }
0x4a: {  	_ =	shalt  }
0x4b: {  	_ =	shalt  }
0x4c: {  	_ =	shalt  }
0x4d: {  	_ =	shalt  }
0x4e: {  	_ =	shalt  }
0x4f: {  	_ =	shalt  }
0x50: {  	_ =	shalt  }
0x51: {  	_ =	shalt  }
0x52: {  	_ =	shalt  }
0x53: {  	_ =	shalt  }
0x54: {  	_ =	shalt  }
0x55: {  	_ =	shalt  }
0x56: {  	_ =	shalt  }
0x57: {  	_ =	shalt  }
0x58: {  	_ =	shalt  }
0x59: {  	_ =	shalt  }
0x5a: {  	_ =	shalt  }
0x5b: {  	_ =	shalt  }
0x5c: {  	_ =	shalt  }
0x5d: {  	_ =	shalt  }
0x5e: {  	_ =	shalt  }
0x5f: {  	_ =	shalt  }
0x60: {  	_ =	shalt  }
0x61: {  	_ =	shalt  }
0x62: {  	_ =	shalt  }
0x63: {  	_ =	shalt  }
0x64: {  	_ =	shalt  }
0x65: {  	_ =	shalt  }
0x66: {  	_ =	shalt  }
0x67: {  	_ =	shalt  }
0x68: {  	_ =	shalt  }
0x69: {  	_ =	shalt  }
0x6a: {  	_ =	shalt  }
0x6b: {  	_ =	shalt  }
0x6c: {  	_ =	shalt  }
0x6d: {  	_ =	shalt  }
0x6e: {  	_ =	shalt  }
0x6f: {  	_ =	shalt  }
0x70: {  	_ =	shalt  }
0x71: {  	_ =	shalt  }
0x72: {  	_ =	shalt  }
0x73: {  	_ =	shalt  }
0x74: {  	_ =	shalt  }
0x75: {  	_ =	shalt  }
0x76: {  	_ =	shalt  }
0x77: {  	_ =	shalt  }
0x78: {  	_ =	shalt  }
0x79: {  	_ =	shalt  }
0x7a: {  	_ =	shalt  }
0x7b: {  	_ =	shalt  }
0x7c: {  	_ =	shalt  }
0x7d: {  	_ =	shalt  }
0x7e: {  	_ =	shalt  }
0x7f: {  	_ =	shalt  }
0x80: {  	_ =	shalt  }
0x81: {  	_ =	shalt  }
0x82: {  	_ =	shalt  }
0x83: {  	_ =	shalt  }
0x84: {  	_ =	shalt  }
0x85: {  	_ =	shalt  }
0x86: {  	_ =	shalt  }
0x87: {  	_ =	shalt  }
.Lfunc_end0:
.L_simem_size_0:
called_computation_lowered:
.L_overlay_start_0:
0x88: {  	s2 =	sld [smem:$0x3FD9]  }
0x89: {  	s3 =	sld [smem:$0x3FFE];
	_ =	sdelay $0x1  }
0x8a: {  	s1 =	srdreg.scid  }
0x8b: {  	s0 =	sand.u32 $0x1, s1  }
0x8c: {  	s15 =	sshll.u32 s0, $0xA;
	s2 =	sadd.s32 s3, s2  }
0x8d: {  	s2 =	sadd.s32 s2, s15  }
0x8e: {  	[smem:$0x3FBD] =	sst s2  }
0x8f: {  	_ = 	snop  }
0x90: {  	s2 =	sld [smem:$0x3FD0];
	_ =	sdelay $0x2  }
0x91: {  	s16 =	simm.s32 $0xA;
	s4 =	simm.s32 $0x10  }
0x92: {  	[smem:s4], [sflag:s16] =	dma.local [hbm:s2], $0x1  }
0x93: {  	_ =	swait.eq [sflag:s16], $0x1  }
0x94: {  	[sflag:s16] =	ssyncset.done $0x0  }
0x95: {  	s17 =	sld [smem:$0x10];
	[sflag:s16] =	ssyncadd.s32 $0xFFFFFFFF  }
0x96: {  	s18 =	sld [smem:$0x11];
	(tm) =	ssettm $0x1  }
0x97: {  	s19 =	sld [smem:$0x3FFB];
	_ =	sdelay $0x3  }
0x98: {  	_ =	strace s19  }
0x99: {  	s4 =	sld [smem:$0x3FFC];
	_ =	sdelay $0x3  }
0x9a: {  	_ =	strace s4  }
0x9b: {  	s4 =	sld [smem:$0x3FFD];
	_ =	sdelay $0x3  }
0x9c: {  	_ =	strace s4  }
0x9d: {  	_ =	strace $0x8FFFFFFF  }
0x9e: {  	s20 =	sld [smem:$0x3FDB];
	_ =	sdelay $0x1  }
0x9f: {  	s5 =	simm.s32 $_scs_section_size  }
0xa0: {  	s6 =	simm.s32 $_size__tile_overlayer_lowered;
	s7 =	simm.s32 $_tile_overlayer_lowered  }
0xa1: {  	s23 =	simm.s32 $0x1BFF;
	s22 =	sshll.u32 s7, $0x1;
	s4 =	sadd.s32 s5, s20  }
0xa2: {  	s8 =	simm.s32 $0x0;
	s21 =	sshll.u32 s6, $0x1;
	s6 =	sadd.s32 s22, s4  }
0xa3: {  	[timem:s8], [sflag:s23] =	dma.local [hbm:s6], s21  }
0xa4: {  	_ =	swait.ge [sflag:s23], s21  }
0xa5: {  	s5 =	ssub.s32 $0x0, s21;
	[sflag:s23] =	ssyncset.done $0x0  }
0xa6: {  	[sflag:s23] =	ssyncadd.s32 s5;
	_ =	sdelay $0x1  }
0xa7: {  	s24 =	simm.s32 $0x1B8B  }
0xa8: {  	_ =	swait.ge [sflag:s24], $0x1  }
0xa9: {  	[sflag:s24] =	ssyncset.done $0x0  }
0xaa: {  	s25 =	simm.s32 $0x1B8E;
	[sflag:s24] =	ssyncadd.s32 $0xFFFFFFFF  }
0xab: {  	s26 =	simm.s32 $execute0_lowered;
	[smem:$0x3FD2] =	sst s25  }
0xac: {  	s5 =	sshll.u32 s26, $0x1;
	_ =	strace $0x80000046;
	[dreg:$0x1] =	wrdreg $0xFFFFFFFF  }
0xad: {  	s28 =	simm.s32 $_size_execute0_lowered;
	s4 =	sadd.s32 s4, s5;
	[dreg:$0x0] =	wrdreg $0x0  }
0xae: {  	s5 =	sshll.u32 s28, $0x1;
	[dreg:$0x2] =	wrdreg s4  }
0xaf: {  	[dreg:$0x3] =	wrdreg s5  }
0xb0: {  	[dreg:$0x4] =	wrdreg $0xC0  }
0xb1: {  	_ =	task [dreg:s8], $0x5FFFF  }
0xb2: {  	[dreg:$0x1] =	wrdreg $0xFFFFFFFF  }
0xb3: {  	[dreg:$0x0] =	wrdreg $0x60  }
0xb4: {  	[dreg:$0x2] =	wrdreg s18  }
0xb5: {  	[dreg:$0x3] =	wrdreg s17  }
0xb6: {  	[dreg:$0x4] =	wrdreg $0x9  }
0xb7: {  	_ =	task.clear_ibuf [dreg:s8], $0x5FFFF;
	_ =	strace $0x90000046  }
0xb8: {  	s29 =	simm.s32 $0x9;
	_ =	strace $0x80000048  }
0xb9: {  	_ =	swait.ge [sflag:s29], $0x1  }
0xba: {  	[sflag:s29] =	ssyncadd.s32 $0xFFFFFFFF  }
0xbb: {  	_ =	strace $0x90000048  }
0xbc: {  	_ =	sfence  }
0xbd: {  	s30 =	sld [smem:$0x0];
	_ =	sdelay $0x2  }
0xbe: {  	s31 =	sshll.u32 s1, $0xD;
	s1 =	sshrl.u32 s1, $0x2  }
0xbf: {  	s3 =	sand.u32 $0x4000, s31;
	s1 =	sadd.s32 s1, s30  }
0xc0: {  	s0 =	sor.u32 s3, s0;
	s1 =	sshll.u32 s1, $0x11  }
0xc1: {  	s0 =	sor.u32 s1, s0  }
0xc2: {  	s0 =	sadd.s32 $0x8F2B, s0  }
0xc3: {  	[sflag:s0] =	ssyncadd.remote.s32 $0x1  }
0xc4: {  	_ =	sfence.sel $0xFFFF  }
0xc5: {  	[dreg:$0x0] =	wrdreg $0xFFFFFFFF;
	(pc) =	sbr.abs _section_cstart, $3  }
0xc6: {  	[dreg:$0x1] =	wrdreg $0xFFFFFFFF  }
0xc7: {  	_ =	task.clear_ibuf [dreg:s8], $0x2FFFF;
	_ =	strace $0x9FFFFFFF  }
0xc8: {  	(tm) =	ssettm $0x7FFFFFFF  }
0xc9: {  	_ =	shalt  }
tec
execute0_lowered:
.L_overlay_start_1:
0x0: {  	(tag) =	ssettag $0x1  }
0x1: {  	s0 =	srdreg.scid  }
0x2: {  	s1 =	stileid.u32;
	s7 =	sand.u32 $0x1, s0  }
0x3: {  	s5 =	sor.u32 s1, s7  }
0x4: {  	p0 =	sne.s32 s5, $0x0  }
.Ltmp0:
0x5: {  	_ = 	snop;
	(pc) =	sbr.rel @p0 .LBB2_4-.Ltmp0, $4  }
0x6: {  	s2 =	rddreg [dreg:$0x0]  }
0x7: {  	s3 =	rddreg [dreg:$0x1];
	s4 =	simm.s32 $0x0  }
0x8: {  	[smem:$0x7FF] =	sst s4  }
0x9: {  	s0 =	rddreg [dreg:$0x2];
	_ =	strace $0x80000047  }
0xa: {  	v0 =	vimm.s32 $0xFEDCBA9;
	v1 =	vimm.s32 $0x87654321;
	v4 =	vimm.s32 $0x98765432;
	s5 =	simm.s32 $0x1  }
0xb: {  	v5 =	vimm.s32 $0xA9876543;
	[tilespmem:s4], [sflag:$0x1] =	stream.linear.gather [hbm4b:s2+s4], $0x180, $0x38;
	[tilespmem:$0x380] =	vst v63  }
0xc: {  	v6 =	vimm.s32 $0x3210FEDC;
	v7 =	vimm.s32 $0xBA987654;
	_ =	swait.ge [sflag:s5], $0x180  }
0xd: {  	v20 =	vimm.s32 $0xDCBA9876;
	v0 =	vunpack.c.l.s4.s8 v0;
	v1 =	vunpack.c.l.s4.s8 v1;
	[sflag:s5] =	ssyncset.done $0x0  }
0xe: {  	v24 =	vimm.s32 $0x76543210;
	v25 =	vimm.s32 $0xFEDCBA98;
	v5 =	vunpack.c.l.s4.s8 v5;
	[sflag:s5] =	ssyncadd.s32 $0xFFFFFE80  }
0xf: {  	v10 =	vunpack.c.0.s8.s32 v0;
	v11 =	vunpack.c.0.s8.s32 v1;
	v1 =	vimm.s32 $0x10FEDCBA;
	v8 =	vld [tilespmem:$0x0]  }
0x10: {  	v6 =	vunpack.c.l.s4.s8 v6;
	v41 =	vunpack.c.l.s4.s8 v25;
	v3 =	vunpack.c.l.s4.s8 v1;
	v21 =	vld [tilespmem:$0x80]  }
0x11: {  	v0 =	vimm.s32 $0x0;
	v15 =	vunpack.c.0.s8.s32 v5;
	v2 =	vcombine.low v11, v10  }
0x12: {  	v12 =	vunpack.c.0.s8.s32 v3;
	v3 =	vunpack.c.l.s4.s8 v4;
	v4 =	vimm.s32 $0x210FEDCB  }
0x13: {  	v16 =	vunpack.c.0.s8.s32 v6;
	v1 =	vlaneseq.u32;
	v4 =	vunpack.c.l.s4.s8 v4  }
0x14: {  	v2 =	vand.u32 $0xF, v2;
	v13 =	vunpack.c.0.s8.s32 v3;
	v3 =	vunpack.c.l.s4.s8 v7  }
0x15: {  	v40 =	vld [tilespmem:$0x100];
	v14 =	vunpack.c.0.s8.s32 v4;
	v4 =	vimm.s32 $0x43210FED;
	vm0 =	vgt.f32 v21, v8  }
0x16: {  	v17 =	vunpack.c.0.s8.s32 v3;
	v3 =	vunpack.c.l.s4.s8 v4;
	v4 =	vimm.s32 $0xCBA98765  }
0x17: {  	v8 =	vmax.f32 v8, v21;
	v6 =	vcombine.low v15, v14;
	v4 =	vunpack.c.l.s4.s8 v4  }
0x18: {  	v5 =	vcombine.low v13, v12;
	v18 =	vunpack.c.0.s8.s32 v3;
	v3 =	vimm.s32 $0x543210FE  }
0x19: {  	v19 =	vunpack.c.0.s8.s32 v4;
	v4 =	vand.u32 $0xF, v6;
	v6 =	vunpack.c.l.s4.s8 v20  }
0x1a: {  	v42 =	vsel vm0, $0x1, v0;
	vm13 =	vgt.f32 v40, v8;
	v9 =	vunpack.c.l.s4.s8 v3  }
0x1b: {  	v7 =	vcombine.low v17, v16;
	v23 =	vunpack.c.0.s8.s32 v6;
	v6 =	vimm.s32 $0x6543210F  }
0x1c: {  	v22 =	vunpack.c.0.s8.s32 v9;
	v9 =	vimm.s32 $0xEDCBA987;
	v6 =	vunpack.c.l.s4.s8 v6  }
0x1d: {  	v44 =	vsel vm13, $0x2, v42;
	v3 =	vand.u32 $0xF, v5;
	v9 =	vunpack.c.l.s4.s8 v9  }
0x1e: {  	v5 =	vand.u32 $0xF, v7;
	v7 =	vcombine.low v19, v18;
	v43 =	vunpack.c.0.s8.s32 v6  }
0x1f: {  	v6 =	vunpack.c.l.s4.s8 v24;
	v45 =	vunpack.c.0.s8.s32 v9;
	v9 =	vshll.u32 v44, $0x4  }
0x20: {  	v8 =	vunpack.c.0.s8.s32 v41;
	v46 =	vcombine.low v23, v22;
	v27 =	vor.u32 v1, v9  }
0x21: {  	s6 =	simm.s32 $0x300;
	v26 =	vunpack.c.0.s8.s32 v6;
	v6 =	vand.u32 $0xF, v7;
	v9 =	vcombine.low v45, v43;
	[tilespmem:$0x300] =	vst v27  }
0x22: {  	v10 =	vcombine.low v10, v11;
	v8 =	vand.u32 $0xF, v8;
	v7 =	vand.u32 $0xF, v46;
	v47 =	vld.idx.msk [tilespmem:v2+s6+$0x0], $0xffff  }
0x23: {  	v11 =	vcombine.low v12, v13;
	v48 =	vld.idx.msk [tilespmem:v3+s6+$0x0], $0xffff;
	v8 =	vcombine.low v8, v26;
	v9 =	vand.u32 $0xF, v9  }
0x24: {  	v12 =	vcombine.low v14, v15;
	v13 =	vcombine.low v16, v17;
	v17 =	vld.idx.msk [tilespmem:v4+s6+$0x0], $0xffff  }
0x25: {  	v10 =	vand.u32 $0xF, v10;
	v14 =	vcombine.low v18, v19;
	v15 =	vcombine.low v22, v23;
	v18 =	vld.idx.msk [tilespmem:v5+s6+$0x0], $0xffff  }
0x26: {  	v11 =	vand.u32 $0xF, v11;
	v12 =	vand.u32 $0xF, v12;
	v16 =	vcombine.low v43, v45;
	v19 =	vld.idx.msk [tilespmem:v6+s6+$0x0], $0xffff  }
0x27: {  	v13 =	vand.u32 $0xF, v13;
	v14 =	vand.u32 $0xF, v14;
	v15 =	vand.u32 $0xF, v15;
	v49 =	vld.idx.msk [tilespmem:v7+s6+$0x0], $0xffff  }
0x28: {  	v16 =	vand.u32 $0xF, v16;
	vm14 =	vlt.s32 v47, v27;
	vm1 =	vlt.s32 v48, v27;
	v50 =	vld.idx.msk [tilespmem:v9+s6+$0x0], $0xffff  }
0x29: {  	vm15 =	vlt.s32 v17, v27;
	v21 =	vsel vm14, $0x1, v0;
	v51 =	vsel vm1, $0x1, v0;
	v17 =	vld.idx.msk [tilespmem:v8+s6+$0x0], $0xffff  }
0x2a: {  	v52 =	vld.idx.msk [tilespmem:v10+s6+$0x0], $0xffff;
	vm4 =	vlt.s32 v18, v27;
	v53 =	vsel vm15, $0x1, v0;
	v18 =	vadd.s32 v51, v21  }
0x2b: {  	v54 =	vld.idx.msk [tilespmem:v11+s6+$0x0], $0xffff;
	v55 =	vsel vm4, $0x1, v0;
	v18 =	vadd.s32 v53, v18;
	vm5 =	vlt.s32 v19, v27  }
0x2c: {  	v19 =	vld.idx.msk [tilespmem:v12+s6+$0x0], $0xffff;
	vm6 =	vlt.s32 v49, v27;
	v18 =	vadd.s32 v55, v18;
	v56 =	vsel vm5, $0x1, v0  }
0x2d: {  	v57 =	vld.idx.msk [tilespmem:v13+s6+$0x0], $0xffff;
	v58 =	vsel vm6, $0x1, v0;
	vm7 =	vlt.s32 v50, v27;
	v18 =	vadd.s32 v56, v18  }
0x2e: {  	v59 =	vld.idx.msk [tilespmem:v14+s6+$0x0], $0xffff;
	v60 =	vsel vm7, $0x1, v0;
	vm8 =	vlt.s32 v17, v27;
	v17 =	vadd.s32 v58, v18  }
0x2f: {  	vm9 =	vlt.s32 v52, v27;
	v18 =	vld.idx.msk [tilespmem:v15+s6+$0x0], $0xffff;
	v61 =	vsel vm8, $0x1, v0;
	v17 =	vadd.s32 v60, v17  }
0x30: {  	vm10 =	vlt.s32 v54, v27;
	v62 =	vld.idx.msk [tilespmem:v16+s6+$0x0], $0xffff;
	v63 =	vsel vm9, $0x1, v0;
	v17 =	vadd.s32 v61, v17  }
0x31: {  	v21 =	vsel vm10, $0x1, v0;
	vm11 =	vlt.s32 v19, v27;
	v17 =	vadd.s32 v63, v17  }
0x32: {  	vm12 =	vlt.s32 v57, v27;
	v19 =	vsel vm11, $0x1, v0;
	v17 =	vadd.s32 v21, v17  }
0x33: {  	v20 =	vsel vm12, $0x1, v0;
	vm13 =	vlt.s32 v59, v27;
	v17 =	vadd.s32 v19, v17  }
0x34: {  	v19 =	vsel vm13, $0x1, v0;
	vm14 =	vlt.s32 v18, v27;
	v17 =	vadd.s32 v20, v17  }
0x35: {  	vm15 =	vlt.s32 v62, v27;
	v18 =	vsel vm14, $0x1, v0;
	v17 =	vadd.s32 v19, v17  }
0x36: {  	v19 =	vsel vm15, $0x1, v0;
	v17 =	vadd.s32 v18, v17  }
0x37: {  	v17 =	vadd.s32 v19, v17;
	_ =	sdelay $0x1  }
0x38: {  	s9 =	ssub.s32 $0x2, s7  }
0x39: {  	s10 =	sshrl.u32 s9, $0x1  }
0x3a: {  	s8 =	simm.s32 $0x200;
	s10 =	ssub.s32 s9, s10  }
0x3b: {  	s7 =	simm.s32 $0x280;
	p0 =	sne.s32 s10, $0x1;
	[tilespmem:v17+s8+$0x0] =	vst.idx.msk $0xffff, v1  }
.Ltmp1:
0x3c: {  	[tilespmem:v17+s7+$0x0] =	vst.idx.msk $0xffff, v44;
	(pc) =	sbr.rel @!p0 .LBB2_3-.Ltmp1, $4  }
0x3d: {  	[hbm4b:s3+s4] =	stream.linear.scatter [tilespmem:s8], [sflag:$0x1], $0x80, $0x38;
	[tilespmem:$0x380] =	vst v63  }
0x3e: {  	_ =	swait.ge [sflag:s5], $0x80  }
0x3f: {  	[sflag:s5] =	ssyncset.done $0x0  }
0x40: {  	s9 =	sadd.s32 $0x10, s3;
	s10 =	sadd.s32 $0xFFFFFFFF, s10;
	[sflag:s5] =	ssyncadd.s32 $0xFFFFFF80  }
.LBB2_2:
0x41: {  	[hbm4b:s9+s4] =	stream.linear.scatter [tilespmem:s7], [sflag:$0x1], $0x80, $0x38;
	[tilespmem:$0x380] =	vst v63  }
0x42: {  	p0 =	sne.s32 s10, $0x1;
	s10 =	sadd.s32 $0xFFFFFFFF, s10;
	_ =	swait.ge [sflag:s5], $0x80  }
0x43: {  	[sflag:s5] =	ssyncset.done $0x0  }
0x44: {  	[sflag:s5] =	ssyncadd.s32 $0xFFFFFF80  }
0x45: {  	[tilespmem:s4], [sflag:$0x1] =	stream.linear.gather [hbm4b:s2+s4], $0x180, $0x38;
	[tilespmem:$0x380] =	vst v63  }
0x46: {  	_ =	swait.ge [sflag:s5], $0x180  }
0x47: {  	[sflag:s5] =	ssyncset.done $0x0  }
0x48: {  	[sflag:s5] =	ssyncadd.s32 $0xFFFFFE80  }
0x49: {  	v17 =	vld [tilespmem:$0x0]  }
0x4a: {  	v18 =	vld [tilespmem:$0x80]  }
0x4b: {  	v19 =	vld [tilespmem:$0x100];
	_ =	sdelay $0x3  }
0x4c: {  	vm0 =	vgt.f32 v18, v17;
	v17 =	vmax.f32 v17, v18  }
0x4d: {  	v18 =	vsel vm0, $0x1, v0;
	vm0 =	vgt.f32 v19, v17  }
0x4e: {  	v17 =	vsel vm0, $0x2, v18  }
0x4f: {  	v18 =	vshll.u32 v17, $0x4  }
0x50: {  	v18 =	vor.u32 v1, v18  }
0x51: {  	[tilespmem:$0x300] =	vst v18  }
0x52: {  	v19 =	vld.idx.msk [tilespmem:v4+s6+$0x0], $0xffff  }
0x53: {  	v20 =	vld.idx.msk [tilespmem:v2+s6+$0x0], $0xffff  }
0x54: {  	v21 =	vld.idx.msk [tilespmem:v3+s6+$0x0], $0xffff  }
0x55: {  	v22 =	vld.idx.msk [tilespmem:v5+s6+$0x0], $0xffff  }
0x56: {  	v23 =	vld.idx.msk [tilespmem:v6+s6+$0x0], $0xffff  }
0x57: {  	v24 =	vld.idx.msk [tilespmem:v7+s6+$0x0], $0xffff  }
0x58: {  	vm0 =	vlt.s32 v19, v18;
	v19 =	vld.idx.msk [tilespmem:v9+s6+$0x0], $0xffff  }
0x59: {  	vm1 =	vlt.s32 v20, v18;
	v20 =	vld.idx.msk [tilespmem:v8+s6+$0x0], $0xffff  }
0x5a: {  	v25 =	vsel vm1, $0x1, v0;
	vm1 =	vlt.s32 v21, v18;
	v21 =	vld.idx.msk [tilespmem:v10+s6+$0x0], $0xffff  }
0x5b: {  	v27 =	vsel vm0, $0x1, v0;
	v26 =	vsel vm1, $0x1, v0;
	vm0 =	vlt.s32 v22, v18;
	v22 =	vld.idx.msk [tilespmem:v11+s6+$0x0], $0xffff  }
0x5c: {  	v25 =	vadd.s32 v26, v25;
	v26 =	vsel vm0, $0x1, v0;
	vm0 =	vlt.s32 v23, v18;
	v23 =	vld.idx.msk [tilespmem:v12+s6+$0x0], $0xffff  }
0x5d: {  	v25 =	vadd.s32 v27, v25;
	v27 =	vsel vm0, $0x1, v0;
	vm0 =	vlt.s32 v24, v18;
	v24 =	vld.idx.msk [tilespmem:v13+s6+$0x0], $0xffff  }
0x5e: {  	v25 =	vadd.s32 v26, v25;
	v26 =	vsel vm0, $0x1, v0;
	vm0 =	vlt.s32 v19, v18;
	v19 =	vld.idx.msk [tilespmem:v14+s6+$0x0], $0xffff  }
0x5f: {  	v25 =	vadd.s32 v27, v25;
	v27 =	vsel vm0, $0x1, v0;
	vm0 =	vlt.s32 v20, v18;
	v20 =	vld.idx.msk [tilespmem:v15+s6+$0x0], $0xffff  }
0x60: {  	v25 =	vadd.s32 v26, v25;
	v26 =	vsel vm0, $0x1, v0;
	vm0 =	vlt.s32 v21, v18;
	v21 =	vld.idx.msk [tilespmem:v16+s6+$0x0], $0xffff  }
0x61: {  	v25 =	vadd.s32 v27, v25;
	v27 =	vsel vm0, $0x1, v0;
	vm0 =	vlt.s32 v22, v18  }
0x62: {  	v22 =	vadd.s32 v26, v25;
	v25 =	vsel vm0, $0x1, v0;
	vm0 =	vlt.s32 v23, v18  }
0x63: {  	v22 =	vadd.s32 v27, v22;
	v23 =	vsel vm0, $0x1, v0;
	vm0 =	vlt.s32 v24, v18  }
0x64: {  	v22 =	vadd.s32 v25, v22;
	v24 =	vsel vm0, $0x1, v0;
	vm0 =	vlt.s32 v19, v18  }
0x65: {  	v19 =	vadd.s32 v23, v22;
	v22 =	vsel vm0, $0x1, v0;
	vm0 =	vlt.s32 v20, v18  }
0x66: {  	v19 =	vadd.s32 v24, v19;
	v20 =	vsel vm0, $0x1, v0;
	vm0 =	vlt.s32 v21, v18  }
0x67: {  	v18 =	vadd.s32 v22, v19;
	v19 =	vsel vm0, $0x1, v0  }
0x68: {  	v18 =	vadd.s32 v20, v18  }
0x69: {  	v18 =	vadd.s32 v19, v18;
	_ =	sdelay $0x4  }
0x6a: {  	[tilespmem:v18+s8+$0x0] =	vst.idx.msk $0xffff, v1  }
.Ltmp2:
0x6b: {  	[tilespmem:v18+s7+$0x0] =	vst.idx.msk $0xffff, v17;
	(pc) =	sbr.rel @p0 .LBB2_2-.Ltmp2, $4  }
0x6c: {  	[hbm4b:s3+s4] =	stream.linear.scatter [tilespmem:s8], [sflag:$0x1], $0x80, $0x38;
	[tilespmem:$0x380] =	vst v63  }
0x6d: {  	_ =	swait.ge [sflag:s5], $0x80  }
0x6e: {  	[sflag:s5] =	ssyncset.done $0x0  }
0x6f: {  	[sflag:s5] =	ssyncadd.s32 $0xFFFFFF80  }
.LBB2_3:
0x70: {  	[hbm4b:s9+s4] =	stream.linear.scatter [tilespmem:s7], [sflag:$0x1], $0x80, $0x38;
	[tilespmem:$0x380] =	vst v63  }
0x71: {  	_ =	swait.ge [sflag:s5], $0x80  }
0x72: {  	[sflag:s5] =	ssyncset.done $0x0  }
0x73: {  	[sflag:s5] =	ssyncadd.s32 $0xFFFFFF80  }
.LBB2_4:
0x74: {  	_ =	sfence.sel $0x180000  }
0x75: {  	[bflag:$0x0] =	sbarrier.arrive $0xFFFF  }
0x76: {  	p0 =	sne.s32 s1, $0x0;
	_ =	strace $0x90000047  }
0x77: {  	s0 =	sadd.s32 @!p0 $0x100000, s0;
	[bflag:$0x2] =	sbarrier.arrive $0xFFFF  }
0x78: {  	[sflag:s0] =	ssyncadd.tile.s32 @!p0 $0x1;
	_ =	shalt  }
.Lfunc_end2:
_tile_overlayer_lowered:
.L_overlay_start_2:
0x79: {  	(tag) =	ssettag $0x2  }
0x7a: {  	s0 =	rddreg [dreg:$0x0];
	s2 =	stileid.u32  }
0x7b: {  	s1 =	rddreg [dreg:$0x1];
	p0 =	sne.s32 s2, $0x0  }
0x7c: {  	s3 =	rddreg [dreg:$0x2];
	[bflag:$0x3] =	sbarrier.arrive $0xFFFF;
	s2 =	simm.s32 @!p0 $0x1C01  }
0x7d: {  	[timem:s3], [sflag:s2] =	dma.local @!p0 [hbm:s0], s1  }
0x7e: {  	s0 =	simm.s32 @!p0 $0x1  }
0x7f: {  	_ =	swait.ge @!p0 [sflag:s0], s1  }
0x80: {  	s1 =	ssub.s32 @!p0 $0x0, s1;
	[sflag:s0] =	ssyncset.done @!p0 $0x0  }
0x81: {  	[sflag:s0] =	ssyncadd.s32 @!p0 s1  }
0x82: {  	[bflag:$0x3] =	sbarrier.arrive $0xFFFF  }
0x83: {  	_ =	shalt  }

</sc_bundles>
